<compile_context>
chip_gen: v7x
topology: tpu7x:2x2x1
jax: 0.10.2.dev20260603
libtpu: 0.0.44.dev20260713+nightly
codegen_flags: <defaults>
</compile_context>

<pallas_src>
import dataclasses

import jax
import jax.numpy as jnp
from jax import lax
from jax.experimental import pallas as pl
from jax.experimental.pallas import tpu as pltpu
from jax.experimental.pallas import tpu_sc as plsc

N = 10000
E = 320000
D_IN = 128
D_HID = 128
D_OUT = 16

NPAD = 10240
NC = 2
NS = 16
NW = NC * NS
L = 16
K = 128
CH = 80
KS = 32
NBUF = 4
EPAD = NW * CH * K

_mesh = plsc.VectorSubcoreMesh(core_axis_name="c", subcore_axis_name="s")



def _hist_body(dsti_hbm, out_hbm, dstv, cnt):
    c = lax.axis_index("c")
    s = lax.axis_index("s")
    wid = s * NC + c
    pltpu.sync_copy(dsti_hbm.at[wid], dstv)

    zeros = jnp.zeros((L,), jnp.float32)

    @pl.loop(0, NPAD // L, step=8)
    def _(i):
        for t in range(8):
            cnt[pl.ds((i + t) * L, L)] = zeros

    ones = jnp.ones((L,), jnp.float32)

    @pl.loop(0, CH)
    def _(j):
        for t in range(K // L):
            idx = dstv[j, pl.ds(t * L, L)]
            plsc.addupdate_scatter(cnt, [idx], ones)

    pltpu.sync_copy(cnt, out_hbm.at[wid])


_sc_params = pltpu.CompilerParams()
if "needs_layout_passes" in pltpu.CompilerParams.__dataclass_fields__:
    _sc_params = dataclasses.replace(_sc_params, needs_layout_passes=False)

_hist_call = pl.kernel(
    _hist_body,
    out_type=jax.ShapeDtypeStruct((NW, NPAD), jnp.float32),
    mesh=_mesh,
    compiler_params=_sc_params,
    scratch_types=[
        pltpu.VMEM((CH, K), jnp.int32),
        pltpu.VMEM((NPAD,), jnp.float32),
    ],
)


def _scat_body(table_hbm, srci_hbm, dsti_hbm, zero_hbm, out_hbm,
               srcv, dstv, b0, b1, b2, b3, acc, s0, s1, s2, s3):
    bufs = (b0, b1, b2, b3)
    sems = (s0, s1, s2, s3)
    c = lax.axis_index("c")
    s = lax.axis_index("s")
    wid = s * NC + c
    rpt = NPAD // NS
    base = s * rpt
    pltpu.sync_copy(zero_hbm.at[pl.ds(base, rpt)], acc.at[pl.ds(base, rpt)])
    pltpu.sync_copy(srci_hbm.at[wid], srcv)
    pltpu.sync_copy(dsti_hbm.at[wid], dstv)
    plsc.subcore_barrier()

    nq = K // KS
    nch = CH * nq

    def gath(chunk_row, off, q):
        return pltpu.make_async_copy(
            table_hbm.at[srcv.at[chunk_row, pl.ds(off, KS)]], bufs[q], sems[q])

    for q in range(NBUF - 1):
        gath(0, q * KS, q).start()

    @pl.loop(0, CH)
    def _(j):
        for q in range(NBUF):
            t = q + NBUF - 1
            row_adv, off = divmod(t, nq)

            @pl.when(nq * j + t < nch)
            def _():
                gath(j + row_adv, off * KS, (t % NBUF)).start()

            gath(j, q * KS, q).wait()
            pltpu.sync_copy(bufs[q], acc.at[dstv.at[j, pl.ds(q * KS, KS)]],
                            add=True)

    plsc.subcore_barrier()
    pltpu.sync_copy(acc.at[pl.ds(base, rpt)], out_hbm.at[c, pl.ds(base, rpt)])


_scat = pl.kernel(
    _scat_body,
    out_type=jax.ShapeDtypeStruct((NC, NPAD, D_HID), jnp.float32),
    mesh=_mesh,
    scratch_types=[
        pltpu.VMEM((CH, K), jnp.int32),
        pltpu.VMEM((CH, K), jnp.int32),
        pltpu.VMEM((KS, D_HID), jnp.float32),
        pltpu.VMEM((KS, D_HID), jnp.float32),
        pltpu.VMEM((KS, D_HID), jnp.float32),
        pltpu.VMEM((KS, D_HID), jnp.float32),
        pltpu.VMEM_SHARED((NPAD, D_HID), jnp.float32),
        pltpu.SemaphoreType.DMA,
        pltpu.SemaphoreType.DMA,
        pltpu.SemaphoreType.DMA,
        pltpu.SemaphoreType.DMA,
    ],
)



_BM = 400
_GRIDM = N // _BM


def _mm1_body(x_ref, w_ref, cnt_ref, o_ref, dis_ref):
    deg = jnp.sum(cnt_ref[...], axis=1, keepdims=True) + 1.0
    dis = lax.rsqrt(deg)
    dis_ref[...] = dis
    h = jnp.dot(x_ref[...], w_ref[...], preferred_element_type=jnp.float32)
    o_ref[...] = h * dis


_mm1 = pl.pallas_call(
    _mm1_body,
    grid=(_GRIDM,),
    in_specs=[
        pl.BlockSpec((_BM, D_IN), lambda i: (i, 0)),
        pl.BlockSpec((D_IN, D_HID), lambda i: (0, 0)),
        pl.BlockSpec((_BM, NW), lambda i: (i, 0)),
    ],
    out_specs=[
        pl.BlockSpec((_BM, D_HID), lambda i: (i, 0)),
        pl.BlockSpec((_BM, 1), lambda i: (i, 0)),
    ],
    out_shape=[
        jax.ShapeDtypeStruct((NPAD, D_HID), jnp.float32),
        jax.ShapeDtypeStruct((NPAD, 1), jnp.float32),
    ],
)


def _layer2_body(hp_ref, p_ref, dis_ref, b1_ref, o_ref):
    dis = dis_ref[...]
    acc = hp_ref[...] + p_ref[0] + p_ref[1]
    z = jnp.maximum(acc * dis + b1_ref[...], 0.0)
    o_ref[...] = z * dis


_layer2 = pl.pallas_call(
    _layer2_body,
    grid=(_GRIDM,),
    in_specs=[
        pl.BlockSpec((_BM, D_HID), lambda i: (i, 0)),
        pl.BlockSpec((NC, _BM, D_HID), lambda i: (0, i, 0)),
        pl.BlockSpec((_BM, 1), lambda i: (i, 0)),
        pl.BlockSpec((1, D_HID), lambda i: (0, 0)),
    ],
    out_specs=pl.BlockSpec((_BM, D_HID), lambda i: (i, 0)),
    out_shape=jax.ShapeDtypeStruct((NPAD, D_HID), jnp.float32),
)


def _final_body(zp_ref, p_ref, dis_ref, w2_ref, b2_ref, o_ref):
    dis = dis_ref[...]
    agg = (zp_ref[...] + p_ref[0] + p_ref[1]) * dis
    y = jnp.dot(agg, w2_ref[...], preferred_element_type=jnp.float32) + b2_ref[...]
    m = jnp.max(y, axis=1, keepdims=True)
    o_ref[...] = (y - m) - jnp.log(jnp.sum(jnp.exp(y - m), axis=1, keepdims=True))


_final = pl.pallas_call(
    _final_body,
    grid=(_GRIDM,),
    in_specs=[
        pl.BlockSpec((_BM, D_HID), lambda i: (i, 0)),
        pl.BlockSpec((NC, _BM, D_HID), lambda i: (0, i, 0)),
        pl.BlockSpec((_BM, 1), lambda i: (i, 0)),
        pl.BlockSpec((D_HID, D_OUT), lambda i: (0, 0)),
        pl.BlockSpec((1, D_OUT), lambda i: (0, 0)),
    ],
    out_specs=pl.BlockSpec((_BM, D_OUT), lambda i: (i, 0)),
    out_shape=jax.ShapeDtypeStruct((N, D_OUT), jnp.float32),
)



def kernel(x, edge_index, W1, b1, W2, b2):
    src = edge_index[0].astype(jnp.int32)
    dst = edge_index[1].astype(jnp.int32)
    pad = N + (jnp.arange(EPAD - E, dtype=jnp.int32) % (NPAD - N))
    src_flat = jnp.concatenate([src, pad])
    dst_flat = jnp.concatenate([dst, pad])
    srci = src_flat.reshape(NW, CH, K)
    dsti = dst_flat.reshape(NW, CH, K)
    zero128 = jnp.zeros((NPAD, D_HID), jnp.float32)

    cnts = _hist_call(dsti)
    cntsT = cnts.T
    h1p, dis = _mm1(x, W1, cntsT)
    p1 = _scat(h1p, srci, dsti, zero128)
    z1p = _layer2(h1p, p1, dis, b1.reshape(1, D_HID))
    p2 = _scat(z1p, srci, dsti, zero128)
    return _final(z1p, p2, dis, W2, b2.reshape(1, D_OUT))

# --- scband reference (transcript-rebuilt; emitter-appended) ---
"""Pipeline reference for scband-gkanmodel-72662256714549 (READ-ONLY COPY).

The authoritative reference and input builder live on the scoring server;
editing this copy changes nothing except your own understanding.
"""

import jax, jax.numpy as jnp
import numpy as np

N_NODES = 10000
N_EDGES = 320000
D_IN = 128
D_HID = 128
D_OUT = 16


def setup_inputs(seed: int = 0) -> dict:
    key = jax.random.key(seed)
    k1, k2, k3, k4, k5, k6 = jax.random.split(key, 6)
    x = jax.random.normal(k1, (N_NODES, D_IN), dtype=jnp.float32)
    edge_index = jax.random.randint(k2, (2, N_EDGES), 0, N_NODES, dtype=jnp.int64)
    # Glorot-style init for GCN weights
    W1 = jax.random.normal(k3, (D_IN, D_HID), dtype=jnp.float32) * (1.0 / np.sqrt(D_IN))
    b1 = jnp.zeros((D_HID,), dtype=jnp.float32)
    W2 = jax.random.normal(k4, (D_HID, D_OUT), dtype=jnp.float32) * (1.0 / np.sqrt(D_HID))
    b2 = jnp.zeros((D_OUT,), dtype=jnp.float32)
    return {"x": x, "edge_index": edge_index, "W1": W1, "b1": b1, "W2": W2, "b2": b2}


def _gcn_conv(x, src, dst, W, b):
    # PyG GCNConv: out = D^{-1/2} (A + I) D^{-1/2} X W + b
    N = x.shape[0]
    deg = jnp.zeros((N,), dtype=x.dtype).at[dst].add(1.0)
    deg_inv_sqrt = jnp.where(deg > 0, deg ** -0.5, 0.0)
    norm = deg_inv_sqrt[src] * deg_inv_sqrt[dst]
    h = x @ W
    msg = h[src] * norm[:, None]
    out = jnp.zeros((N, W.shape[1]), dtype=x.dtype).at[dst].add(msg)
    return out + b


def reference(x, edge_index, W1, b1, W2, b2):
    N = x.shape[0]
    loop = jnp.arange(N, dtype=edge_index.dtype)
    src = jnp.concatenate([edge_index[0], loop])
    dst = jnp.concatenate([edge_index[1], loop])
    h = _gcn_conv(x, src, dst, W1, b1)
    h = jax.nn.relu(h)
    # F.dropout with training=False (eval mode) is identity
    h = _gcn_conv(h, src, dst, W2, b2)
    return jax.nn.log_softmax(h, axis=1)

if __name__ == "__main__":
    import jax
    _d = setup_inputs()
    print(jax.jit(kernel)(*tuple(_d.values())))

</pallas_src>

<mosaic_0001>
#map = affine_map<(d0, d1) -> (0, 0, 0)>
#map1 = affine_map<(d0, d1) -> (0, 0)>
module attributes {stable_mosaic.version = 14 : i64} {
  func.func @_hist_body(%arg0: i32, %arg1: i32, %arg2: memref<32x80x128xi32, #tpu.memory_space<hbm>>, %arg3: memref<32x10240xf32, #tpu.memory_space<hbm>>, %arg4: memref<80x128xi32, #tpu.memory_space<vmem>>, %arg5: memref<10240xf32, #tpu.memory_space<vmem>>) attributes {dimension_semantics = [#tpu.dimension_semantics<core_parallel>, #tpu.dimension_semantics<subcore_parallel>], iteration_bounds = array<i64: 2, 16>, scalar_prefetch = 0 : i64, scratch_operands = 2 : i64, tpu.core_type = #tpu.core_type<sc_vector_subcore>, window_params = [{transform_indices = #map}, {transform_indices = #map1}]} {
    %mul3A = arith.constant 2 : i32
    %mul3A_0 = arith.muli %arg1, %mul3A : i32
    %add3A = arith.addi %mul3A_0, %arg0 : i32
    "tpu.region"() ({
      %run_scoped3A = tpu.sem_alloc : memref<!tpu.dma_semaphore, #tpu.memory_space<semaphore_mem>>
      %dma_start3A = arith.constant 0 : i32
      %dma_start3A_13 = arith.constant 0 : i32
      %dma_start3A_14 = tpu.memref_slice %arg2[%add3A, %dma_start3A, %dma_start3A_13] : memref<32x80x128xi32, #tpu.memory_space<hbm>> -> memref<1x80x128xi32, #tpu.memory_space<hbm>>
      %dma_start3A_15 = tpu.memref_squeeze %dma_start3A_14 : memref<1x80x128xi32, #tpu.memory_space<hbm>> -> memref<80x128xi32, #tpu.memory_space<hbm>>
      %dma_start3A_16 = arith.constant 0 : i32
      %dma_start3A_17 = arith.constant 0 : i32
      %dma_start3A_18 = tpu.memref_slice %arg2[%add3A, %dma_start3A_16, %dma_start3A_17] : memref<32x80x128xi32, #tpu.memory_space<hbm>> -> memref<1x80x128xi32, #tpu.memory_space<hbm>>
      %dma_start3A_19 = tpu.memref_squeeze %dma_start3A_18 : memref<1x80x128xi32, #tpu.memory_space<hbm>> -> memref<80x128xi32, #tpu.memory_space<hbm>>
      tpu.enqueue_dma source(%dma_start3A_19 : memref<80x128xi32, #tpu.memory_space<hbm>>) target(%arg4 : memref<80x128xi32, #tpu.memory_space<vmem>>) target_semaphore(%run_scoped3A : memref<!tpu.dma_semaphore, #tpu.memory_space<semaphore_mem>>)
      %dma_wait3A = arith.constant 0 : i32
      %dma_wait3A_20 = arith.constant 0 : i32
      %dma_wait3A_21 = tpu.memref_slice %arg2[%add3A, %dma_wait3A, %dma_wait3A_20] : memref<32x80x128xi32, #tpu.memory_space<hbm>> -> memref<1x80x128xi32, #tpu.memory_space<hbm>>
      %dma_wait3A_22 = tpu.memref_squeeze %dma_wait3A_21 : memref<1x80x128xi32, #tpu.memory_space<hbm>> -> memref<80x128xi32, #tpu.memory_space<hbm>>
      %dma_wait3A_23 = arith.constant 0 : i32
      %dma_wait3A_24 = arith.constant 0 : i32
      %dma_wait3A_25 = tpu.memref_slice %arg2[%add3A, %dma_wait3A_23, %dma_wait3A_24] : memref<32x80x128xi32, #tpu.memory_space<hbm>> -> memref<1x80x128xi32, #tpu.memory_space<hbm>>
      %dma_wait3A_26 = tpu.memref_squeeze %dma_wait3A_25 : memref<1x80x128xi32, #tpu.memory_space<hbm>> -> memref<80x128xi32, #tpu.memory_space<hbm>>
      tpu.wait_dma2 semaphore(%run_scoped3A : memref<!tpu.dma_semaphore, #tpu.memory_space<semaphore_mem>>) src(%dma_wait3A_26 : memref<80x128xi32, #tpu.memory_space<hbm>>) dst(%arg4 : memref<80x128xi32, #tpu.memory_space<vmem>>)
      tpu.yield
    }) : () -> ()
    %broadcast_in_dim3A = arith.constant 0.000000e+00 : f32
    %broadcast_in_dim3A_1 = vector.broadcast %broadcast_in_dim3A : f32 to vector<16xf32>
    %scan3A = arith.constant 0 : i32
    %scan3A_2 = arith.constant 80 : i32
    %scan3A_3 = arith.addi %scan3A, %scan3A_2 : i32
    %scan3A_4 = arith.constant 1 : i32
    scf.for %scan3A_13 = %scan3A to %scan3A_3 step %scan3A_4  : i32 {
      %mul3A_14 = arith.constant 8 : i32
      %mul3A_15 = arith.muli %scan3A_13, %mul3A_14 : i32
      %add3A_16 = arith.constant 0 : i32
      %add3A_17 = arith.addi %add3A_16, %mul3A_15 : i32
      %add3A_18 = arith.constant 0 : i32
      %add3A_19 = arith.addi %add3A_17, %add3A_18 : i32
      %mul3A_20 = arith.constant 16 : i32
      %mul3A_21 = arith.muli %add3A_19, %mul3A_20 : i32
      %swap3A = arith.index_cast %mul3A_21 : i32 to index
      %swap3A_22 = tpu.vector_load %arg5[%swap3A] {strides = array<i32>} : memref<10240xf32, #tpu.memory_space<vmem>>, vector<16xf32>,
      tpu.vector_store %arg5[%swap3A], %broadcast_in_dim3A_1 {strides = array<i32>} : memref<10240xf32, #tpu.memory_space<vmem>>, vector<16xf32>,
      %add3A_23 = arith.constant 1 : i32
      %add3A_24 = arith.addi %add3A_17, %add3A_23 : i32
      %mul3A_25 = arith.constant 16 : i32
      %mul3A_26 = arith.muli %add3A_24, %mul3A_25 : i32
      %swap3A_27 = arith.index_cast %mul3A_26 : i32 to index
      %swap3A_28 = tpu.vector_load %arg5[%swap3A_27] {strides = array<i32>} : memref<10240xf32, #tpu.memory_space<vmem>>, vector<16xf32>,
      tpu.vector_store %arg5[%swap3A_27], %broadcast_in_dim3A_1 {strides = array<i32>} : memref<10240xf32, #tpu.memory_space<vmem>>, vector<16xf32>,
      %add3A_29 = arith.constant 2 : i32
      %add3A_30 = arith.addi %add3A_17, %add3A_29 : i32
      %mul3A_31 = arith.constant 16 : i32
      %mul3A_32 = arith.muli %add3A_30, %mul3A_31 : i32
      %swap3A_33 = arith.index_cast %mul3A_32 : i32 to index
      %swap3A_34 = tpu.vector_load %arg5[%swap3A_33] {strides = array<i32>} : memref<10240xf32, #tpu.memory_space<vmem>>, vector<16xf32>,
      tpu.vector_store %arg5[%swap3A_33], %broadcast_in_dim3A_1 {strides = array<i32>} : memref<10240xf32, #tpu.memory_space<vmem>>, vector<16xf32>,
      %add3A_35 = arith.constant 3 : i32
      %add3A_36 = arith.addi %add3A_17, %add3A_35 : i32
      %mul3A_37 = arith.constant 16 : i32
      %mul3A_38 = arith.muli %add3A_36, %mul3A_37 : i32
      %swap3A_39 = arith.index_cast %mul3A_38 : i32 to index
      %swap3A_40 = tpu.vector_load %arg5[%swap3A_39] {strides = array<i32>} : memref<10240xf32, #tpu.memory_space<vmem>>, vector<16xf32>,
      tpu.vector_store %arg5[%swap3A_39], %broadcast_in_dim3A_1 {strides = array<i32>} : memref<10240xf32, #tpu.memory_space<vmem>>, vector<16xf32>,
      %add3A_41 = arith.constant 4 : i32
      %add3A_42 = arith.addi %add3A_17, %add3A_41 : i32
      %mul3A_43 = arith.constant 16 : i32
      %mul3A_44 = arith.muli %add3A_42, %mul3A_43 : i32
      %swap3A_45 = arith.index_cast %mul3A_44 : i32 to index
      %swap3A_46 = tpu.vector_load %arg5[%swap3A_45] {strides = array<i32>} : memref<10240xf32, #tpu.memory_space<vmem>>, vector<16xf32>,
      tpu.vector_store %arg5[%swap3A_45], %broadcast_in_dim3A_1 {strides = array<i32>} : memref<10240xf32, #tpu.memory_space<vmem>>, vector<16xf32>,
      %add3A_47 = arith.constant 5 : i32
      %add3A_48 = arith.addi %add3A_17, %add3A_47 : i32
      %mul3A_49 = arith.constant 16 : i32
      %mul3A_50 = arith.muli %add3A_48, %mul3A_49 : i32
      %swap3A_51 = arith.index_cast %mul3A_50 : i32 to index
      %swap3A_52 = tpu.vector_load %arg5[%swap3A_51] {strides = array<i32>} : memref<10240xf32, #tpu.memory_space<vmem>>, vector<16xf32>,
      tpu.vector_store %arg5[%swap3A_51], %broadcast_in_dim3A_1 {strides = array<i32>} : memref<10240xf32, #tpu.memory_space<vmem>>, vector<16xf32>,
      %add3A_53 = arith.constant 6 : i32
      %add3A_54 = arith.addi %add3A_17, %add3A_53 : i32
      %mul3A_55 = arith.constant 16 : i32
      %mul3A_56 = arith.muli %add3A_54, %mul3A_55 : i32
      %swap3A_57 = arith.index_cast %mul3A_56 : i32 to index
      %swap3A_58 = tpu.vector_load %arg5[%swap3A_57] {strides = array<i32>} : memref<10240xf32, #tpu.memory_space<vmem>>, vector<16xf32>,
      tpu.vector_store %arg5[%swap3A_57], %broadcast_in_dim3A_1 {strides = array<i32>} : memref<10240xf32, #tpu.memory_space<vmem>>, vector<16xf32>,
      %add3A_59 = arith.constant 7 : i32
      %add3A_60 = arith.addi %add3A_17, %add3A_59 : i32
      %mul3A_61 = arith.constant 16 : i32
      %mul3A_62 = arith.muli %add3A_60, %mul3A_61 : i32
      %swap3A_63 = arith.index_cast %mul3A_62 : i32 to index
      %swap3A_64 = tpu.vector_load %arg5[%swap3A_63] {strides = array<i32>} : memref<10240xf32, #tpu.memory_space<vmem>>, vector<16xf32>,
      tpu.vector_store %arg5[%swap3A_63], %broadcast_in_dim3A_1 {strides = array<i32>} : memref<10240xf32, #tpu.memory_space<vmem>>, vector<16xf32>,
    }
    %scan3A_5 = arith.constant 80 : i32
    %broadcast_in_dim3A_6 = arith.constant 1.000000e+00 : f32
    %broadcast_in_dim3A_7 = vector.broadcast %broadcast_in_dim3A_6 : f32 to vector<16xf32>
    %scan3A_8 = arith.constant 0 : i32
    %scan3A_9 = arith.constant 80 : i32
    %scan3A_10 = arith.addi %scan3A_8, %scan3A_9 : i32
    %scan3A_11 = arith.constant 1 : i32
    scf.for %scan3A_13 = %scan3A_8 to %scan3A_10 step %scan3A_11  : i32 {
      %mul3A_14 = arith.constant 1 : i32
      %mul3A_15 = arith.muli %scan3A_13, %mul3A_14 : i32
      %add3A_16 = arith.constant 0 : i32
      %add3A_17 = arith.addi %add3A_16, %mul3A_15 : i32
      %get3A = arith.index_cast %add3A_17 : i32 to index
      %get3A_18 = arith.constant 0 : index
      %get3A_19 = tpu.vector_load %arg4[%get3A, %get3A_18] {strides = array<i32>} : memref<80x128xi32, #tpu.memory_space<vmem>>, vector<16xi32>,
      tpu.vector_store_idx %arg5[%get3A_19], %broadcast_in_dim3A_7 {add = true} : memref<10240xf32, #tpu.memory_space<vmem>>[vector<16xi32>], vector<16xf32>,
      %get3A_20 = arith.index_cast %add3A_17 : i32 to index
      %get3A_21 = arith.constant 16 : index
      %get3A_22 = tpu.vector_load %arg4[%get3A_20, %get3A_21] {strides = array<i32>} : memref<80x128xi32, #tpu.memory_space<vmem>>, vector<16xi32>,
      tpu.vector_store_idx %arg5[%get3A_22], %broadcast_in_dim3A_7 {add = true} : memref<10240xf32, #tpu.memory_space<vmem>>[vector<16xi32>], vector<16xf32>,
      %get3A_23 = arith.index_cast %add3A_17 : i32 to index
      %get3A_24 = arith.constant 32 : index
      %get3A_25 = tpu.vector_load %arg4[%get3A_23, %get3A_24] {strides = array<i32>} : memref<80x128xi32, #tpu.memory_space<vmem>>, vector<16xi32>,
      tpu.vector_store_idx %arg5[%get3A_25], %broadcast_in_dim3A_7 {add = true} : memref<10240xf32, #tpu.memory_space<vmem>>[vector<16xi32>], vector<16xf32>,
      %get3A_26 = arith.index_cast %add3A_17 : i32 to index
      %get3A_27 = arith.constant 48 : index
      %get3A_28 = tpu.vector_load %arg4[%get3A_26, %get3A_27] {strides = array<i32>} : memref<80x128xi32, #tpu.memory_space<vmem>>, vector<16xi32>,
      tpu.vector_store_idx %arg5[%get3A_28], %broadcast_in_dim3A_7 {add = true} : memref<10240xf32, #tpu.memory_space<vmem>>[vector<16xi32>], vector<16xf32>,
      %get3A_29 = arith.index_cast %add3A_17 : i32 to index
      %get3A_30 = arith.constant 64 : index
      %get3A_31 = tpu.vector_load %arg4[%get3A_29, %get3A_30] {strides = array<i32>} : memref<80x128xi32, #tpu.memory_space<vmem>>, vector<16xi32>,
      tpu.vector_store_idx %arg5[%get3A_31], %broadcast_in_dim3A_7 {add = true} : memref<10240xf32, #tpu.memory_space<vmem>>[vector<16xi32>], vector<16xf32>,
      %get3A_32 = arith.index_cast %add3A_17 : i32 to index
      %get3A_33 = arith.constant 80 : index
      %get3A_34 = tpu.vector_load %arg4[%get3A_32, %get3A_33] {strides = array<i32>} : memref<80x128xi32, #tpu.memory_space<vmem>>, vector<16xi32>,
      tpu.vector_store_idx %arg5[%get3A_34], %broadcast_in_dim3A_7 {add = true} : memref<10240xf32, #tpu.memory_space<vmem>>[vector<16xi32>], vector<16xf32>,
      %get3A_35 = arith.index_cast %add3A_17 : i32 to index
      %get3A_36 = arith.constant 96 : index
      %get3A_37 = tpu.vector_load %arg4[%get3A_35, %get3A_36] {strides = array<i32>} : memref<80x128xi32, #tpu.memory_space<vmem>>, vector<16xi32>,
      tpu.vector_store_idx %arg5[%get3A_37], %broadcast_in_dim3A_7 {add = true} : memref<10240xf32, #tpu.memory_space<vmem>>[vector<16xi32>], vector<16xf32>,
      %get3A_38 = arith.index_cast %add3A_17 : i32 to index
      %get3A_39 = arith.constant 112 : index
      %get3A_40 = tpu.vector_load %arg4[%get3A_38, %get3A_39] {strides = array<i32>} : memref<80x128xi32, #tpu.memory_space<vmem>>, vector<16xi32>,
      tpu.vector_store_idx %arg5[%get3A_40], %broadcast_in_dim3A_7 {add = true} : memref<10240xf32, #tpu.memory_space<vmem>>[vector<16xi32>], vector<16xf32>,
    }
    %scan3A_12 = arith.constant 80 : i32
    "tpu.region"() ({
      %run_scoped3A = tpu.sem_alloc : memref<!tpu.dma_semaphore, #tpu.memory_space<semaphore_mem>>
      %dma_start3A = arith.constant 0 : i32
      %dma_start3A_13 = tpu.memref_slice %arg3[%add3A, %dma_start3A] : memref<32x10240xf32, #tpu.memory_space<hbm>> -> memref<1x10240xf32, #tpu.memory_space<hbm>>
      %dma_start3A_14 = tpu.memref_squeeze %dma_start3A_13 : memref<1x10240xf32, #tpu.memory_space<hbm>> -> memref<10240xf32, #tpu.memory_space<hbm>>
      %dma_start3A_15 = arith.constant 0 : i32
      %dma_start3A_16 = tpu.memref_slice %arg3[%add3A, %dma_start3A_15] : memref<32x10240xf32, #tpu.memory_space<hbm>> -> memref<1x10240xf32, #tpu.memory_space<hbm>>
      %dma_start3A_17 = tpu.memref_squeeze %dma_start3A_16 : memref<1x10240xf32, #tpu.memory_space<hbm>> -> memref<10240xf32, #tpu.memory_space<hbm>>
      tpu.enqueue_dma source(%arg5 : memref<10240xf32, #tpu.memory_space<vmem>>) target(%dma_start3A_17 : memref<10240xf32, #tpu.memory_space<hbm>>) target_semaphore(%run_scoped3A : memref<!tpu.dma_semaphore, #tpu.memory_space<semaphore_mem>>)
      %dma_wait3A = arith.constant 0 : i32
      %dma_wait3A_18 = tpu.memref_slice %arg3[%add3A, %dma_wait3A] : memref<32x10240xf32, #tpu.memory_space<hbm>> -> memref<1x10240xf32, #tpu.memory_space<hbm>>
      %dma_wait3A_19 = tpu.memref_squeeze %dma_wait3A_18 : memref<1x10240xf32, #tpu.memory_space<hbm>> -> memref<10240xf32, #tpu.memory_space<hbm>>
      %dma_wait3A_20 = arith.constant 0 : i32
      %dma_wait3A_21 = tpu.memref_slice %arg3[%add3A, %dma_wait3A_20] : memref<32x10240xf32, #tpu.memory_space<hbm>> -> memref<1x10240xf32, #tpu.memory_space<hbm>>
      %dma_wait3A_22 = tpu.memref_squeeze %dma_wait3A_21 : memref<1x10240xf32, #tpu.memory_space<hbm>> -> memref<10240xf32, #tpu.memory_space<hbm>>
      tpu.wait_dma2 semaphore(%run_scoped3A : memref<!tpu.dma_semaphore, #tpu.memory_space<semaphore_mem>>) src(%arg5 : memref<10240xf32, #tpu.memory_space<vmem>>) dst(%dma_wait3A_22 : memref<10240xf32, #tpu.memory_space<hbm>>)
      tpu.yield
    }) : () -> ()
    return
  }
}

#map = affine_map<(d0, d1) -> (0, 0)>
#map1 = affine_map<(d0, d1) -> (0, 0, 0)>
module attributes {stable_mosaic.version = 14 : i64} {
  func.func @_scat_body(%arg0: i32, %arg1: i32, %arg2: memref<10240x128xf32, #tpu.memory_space<hbm>>, %arg3: memref<32x80x128xi32, #tpu.memory_space<hbm>>, %arg4: memref<32x80x128xi32, #tpu.memory_space<hbm>>, %arg5: memref<10240x128xf32, #tpu.memory_space<hbm>>, %arg6: memref<2x10240x128xf32, #tpu.memory_space<hbm>>, %arg7: memref<80x128xi32, #tpu.memory_space<vmem>>, %arg8: memref<80x128xi32, #tpu.memory_space<vmem>>, %arg9: memref<32x128xf32, #tpu.memory_space<vmem>>, %arg10: memref<32x128xf32, #tpu.memory_space<vmem>>, %arg11: memref<32x128xf32, #tpu.memory_space<vmem>>, %arg12: memref<32x128xf32, #tpu.memory_space<vmem>>, %arg13: memref<10240x128xf32, #tpu.memory_space<vmem_shared>>, %arg14: memref<!tpu.dma_semaphore, #tpu.memory_space<semaphore_mem>>, %arg15: memref<!tpu.dma_semaphore, #tpu.memory_space<semaphore_mem>>, %arg16: memref<!tpu.dma_semaphore, #tpu.memory_space<semaphore_mem>>, %arg17: memref<!tpu.dma_semaphore, #tpu.memory_space<semaphore_mem>>) attributes {dimension_semantics = [#tpu.dimension_semantics<core_parallel>, #tpu.dimension_semantics<subcore_parallel>], iteration_bounds = array<i64: 2, 16>, scalar_prefetch = 0 : i64, scratch_operands = 11 : i64, tpu.core_type = #tpu.core_type<sc_vector_subcore>, window_params = [{transform_indices = #map}, {transform_indices = #map1}, {transform_indices = #map1}, {transform_indices = #map}, {transform_indices = #map1}]} {
    %mul3A = arith.constant 2 : i32
    %mul3A_0 = arith.muli %arg1, %mul3A : i32
    %add3A = arith.addi %mul3A_0, %arg0 : i32
    %mul3A_1 = arith.constant 640 : i32
    %mul3A_2 = arith.muli %arg1, %mul3A_1 : i32
    "tpu.region"() ({
      %run_scoped3A = tpu.sem_alloc : memref<!tpu.dma_semaphore, #tpu.memory_space<semaphore_mem>>
      %dma_start3A_28 = arith.constant 0 : i32
      %dma_start3A_29 = tpu.memref_slice %arg13[%mul3A_2, %dma_start3A_28] : memref<10240x128xf32, #tpu.memory_space<vmem_shared>> -> memref<640x128xf32, #tpu.memory_space<vmem_shared>>
      %dma_start3A_30 = arith.constant 0 : i32
      %dma_start3A_31 = tpu.memref_slice %arg5[%mul3A_2, %dma_start3A_30] : memref<10240x128xf32, #tpu.memory_space<hbm>> -> memref<640x128xf32, #tpu.memory_space<hbm>>
      tpu.enqueue_dma source(%dma_start3A_31 : memref<640x128xf32, #tpu.memory_space<hbm>>) target(%dma_start3A_29 : memref<640x128xf32, #tpu.memory_space<vmem_shared>>) target_semaphore(%run_scoped3A : memref<!tpu.dma_semaphore, #tpu.memory_space<semaphore_mem>>)
      %dma_wait3A = arith.constant 0 : i32
      %dma_wait3A_32 = tpu.memref_slice %arg13[%mul3A_2, %dma_wait3A] : memref<10240x128xf32, #tpu.memory_space<vmem_shared>> -> memref<640x128xf32, #tpu.memory_space<vmem_shared>>
      %dma_wait3A_33 = arith.constant 0 : i32
      %dma_wait3A_34 = tpu.memref_slice %arg5[%mul3A_2, %dma_wait3A_33] : memref<10240x128xf32, #tpu.memory_space<hbm>> -> memref<640x128xf32, #tpu.memory_space<hbm>>
      tpu.wait_dma2 semaphore(%run_scoped3A : memref<!tpu.dma_semaphore, #tpu.memory_space<semaphore_mem>>) src(%dma_wait3A_34 : memref<640x128xf32, #tpu.memory_space<hbm>>) dst(%dma_wait3A_32 : memref<640x128xf32, #tpu.memory_space<vmem_shared>>)
      tpu.yield
    }) : () -> ()
    "tpu.region"() ({
      %run_scoped3A = tpu.sem_alloc : memref<!tpu.dma_semaphore, #tpu.memory_space<semaphore_mem>>
      %dma_start3A_28 = arith.constant 0 : i32
      %dma_start3A_29 = arith.constant 0 : i32
      %dma_start3A_30 = tpu.memref_slice %arg3[%add3A, %dma_start3A_28, %dma_start3A_29] : memref<32x80x128xi32, #tpu.memory_space<hbm>> -> memref<1x80x128xi32, #tpu.memory_space<hbm>>
      %dma_start3A_31 = tpu.memref_squeeze %dma_start3A_30 : memref<1x80x128xi32, #tpu.memory_space<hbm>> -> memref<80x128xi32, #tpu.memory_space<hbm>>
      %dma_start3A_32 = arith.constant 0 : i32
      %dma_start3A_33 = arith.constant 0 : i32
      %dma_start3A_34 = tpu.memref_slice %arg3[%add3A, %dma_start3A_32, %dma_start3A_33] : memref<32x80x128xi32, #tpu.memory_space<hbm>> -> memref<1x80x128xi32, #tpu.memory_space<hbm>>
      %dma_start3A_35 = tpu.memref_squeeze %dma_start3A_34 : memref<1x80x128xi32, #tpu.memory_space<hbm>> -> memref<80x128xi32, #tpu.memory_space<hbm>>
      tpu.enqueue_dma source(%dma_start3A_35 : memref<80x128xi32, #tpu.memory_space<hbm>>) target(%arg7 : memref<80x128xi32, #tpu.memory_space<vmem>>) target_semaphore(%run_scoped3A : memref<!tpu.dma_semaphore, #tpu.memory_space<semaphore_mem>>)
      %dma_wait3A = arith.constant 0 : i32
      %dma_wait3A_36 = arith.constant 0 : i32
      %dma_wait3A_37 = tpu.memref_slice %arg3[%add3A, %dma_wait3A, %dma_wait3A_36] : memref<32x80x128xi32, #tpu.memory_space<hbm>> -> memref<1x80x128xi32, #tpu.memory_space<hbm>>
      %dma_wait3A_38 = tpu.memref_squeeze %dma_wait3A_37 : memref<1x80x128xi32, #tpu.memory_space<hbm>> -> memref<80x128xi32, #tpu.memory_space<hbm>>
      %dma_wait3A_39 = arith.constant 0 : i32
      %dma_wait3A_40 = arith.constant 0 : i32
      %dma_wait3A_41 = tpu.memref_slice %arg3[%add3A, %dma_wait3A_39, %dma_wait3A_40] : memref<32x80x128xi32, #tpu.memory_space<hbm>> -> memref<1x80x128xi32, #tpu.memory_space<hbm>>
      %dma_wait3A_42 = tpu.memref_squeeze %dma_wait3A_41 : memref<1x80x128xi32, #tpu.memory_space<hbm>> -> memref<80x128xi32, #tpu.memory_space<hbm>>
      tpu.wait_dma2 semaphore(%run_scoped3A : memref<!tpu.dma_semaphore, #tpu.memory_space<semaphore_mem>>) src(%dma_wait3A_42 : memref<80x128xi32, #tpu.memory_space<hbm>>) dst(%arg7 : memref<80x128xi32, #tpu.memory_space<vmem>>)
      tpu.yield
    }) : () -> ()
    "tpu.region"() ({
      %run_scoped3A = tpu.sem_alloc : memref<!tpu.dma_semaphore, #tpu.memory_space<semaphore_mem>>
      %dma_start3A_28 = arith.constant 0 : i32
      %dma_start3A_29 = arith.constant 0 : i32
      %dma_start3A_30 = tpu.memref_slice %arg4[%add3A, %dma_start3A_28, %dma_start3A_29] : memref<32x80x128xi32, #tpu.memory_space<hbm>> -> memref<1x80x128xi32, #tpu.memory_space<hbm>>
      %dma_start3A_31 = tpu.memref_squeeze %dma_start3A_30 : memref<1x80x128xi32, #tpu.memory_space<hbm>> -> memref<80x128xi32, #tpu.memory_space<hbm>>
      %dma_start3A_32 = arith.constant 0 : i32
      %dma_start3A_33 = arith.constant 0 : i32
      %dma_start3A_34 = tpu.memref_slice %arg4[%add3A, %dma_start3A_32, %dma_start3A_33] : memref<32x80x128xi32, #tpu.memory_space<hbm>> -> memref<1x80x128xi32, #tpu.memory_space<hbm>>
      %dma_start3A_35 = tpu.memref_squeeze %dma_start3A_34 : memref<1x80x128xi32, #tpu.memory_space<hbm>> -> memref<80x128xi32, #tpu.memory_space<hbm>>
      tpu.enqueue_dma source(%dma_start3A_35 : memref<80x128xi32, #tpu.memory_space<hbm>>) target(%arg8 : memref<80x128xi32, #tpu.memory_space<vmem>>) target_semaphore(%run_scoped3A : memref<!tpu.dma_semaphore, #tpu.memory_space<semaphore_mem>>)
      %dma_wait3A = arith.constant 0 : i32
      %dma_wait3A_36 = arith.constant 0 : i32
      %dma_wait3A_37 = tpu.memref_slice %arg4[%add3A, %dma_wait3A, %dma_wait3A_36] : memref<32x80x128xi32, #tpu.memory_space<hbm>> -> memref<1x80x128xi32, #tpu.memory_space<hbm>>
      %dma_wait3A_38 = tpu.memref_squeeze %dma_wait3A_37 : memref<1x80x128xi32, #tpu.memory_space<hbm>> -> memref<80x128xi32, #tpu.memory_space<hbm>>
      %dma_wait3A_39 = arith.constant 0 : i32
      %dma_wait3A_40 = arith.constant 0 : i32
      %dma_wait3A_41 = tpu.memref_slice %arg4[%add3A, %dma_wait3A_39, %dma_wait3A_40] : memref<32x80x128xi32, #tpu.memory_space<hbm>> -> memref<1x80x128xi32, #tpu.memory_space<hbm>>
      %dma_wait3A_42 = tpu.memref_squeeze %dma_wait3A_41 : memref<1x80x128xi32, #tpu.memory_space<hbm>> -> memref<80x128xi32, #tpu.memory_space<hbm>>
      tpu.wait_dma2 semaphore(%run_scoped3A : memref<!tpu.dma_semaphore, #tpu.memory_space<semaphore_mem>>) src(%dma_wait3A_42 : memref<80x128xi32, #tpu.memory_space<hbm>>) dst(%arg8 : memref<80x128xi32, #tpu.memory_space<vmem>>)
      tpu.yield
    }) : () -> ()
    %barrier3A = arith.constant 0 : index
    tpu.barrier barrier_id(%barrier3A)
    %dma_start3A = arith.constant 0 : i32
    %dma_start3A_3 = arith.constant 0 : i32
    %dma_start3A_4 = tpu.memref_slice %arg7[%dma_start3A, %dma_start3A_3] : memref<80x128xi32, #tpu.memory_space<vmem>> -> memref<1x32xi32, #tpu.memory_space<vmem>>
    %dma_start3A_5 = tpu.memref_squeeze %dma_start3A_4 : memref<1x32xi32, #tpu.memory_space<vmem>> -> memref<32xi32, #tpu.memory_space<vmem>>
    %dma_start3A_6 = arith.constant 0 : i32
    %dma_start3A_7 = arith.constant 0 : i32
    %dma_start3A_8 = tpu.memref_slice %arg2[%dma_start3A_6, %dma_start3A_7] : memref<10240x128xf32, #tpu.memory_space<hbm>> -> memref<10240x128xf32, #tpu.memory_space<hbm>>
    tpu.enqueue_indirect_dma source(%dma_start3A_8 : memref<10240x128xf32, #tpu.memory_space<hbm>>) target(%arg9 : memref<32x128xf32, #tpu.memory_space<vmem>>) offsets(%dma_start3A_5 : memref<32xi32, #tpu.memory_space<vmem>>) semaphore(%arg14 : memref<!tpu.dma_semaphore, #tpu.memory_space<semaphore_mem>>)
    %dma_start3A_9 = arith.constant 0 : i32
    %dma_start3A_10 = arith.constant 32 : i32
    %dma_start3A_11 = tpu.memref_slice %arg7[%dma_start3A_9, %dma_start3A_10] : memref<80x128xi32, #tpu.memory_space<vmem>> -> memref<1x32xi32, #tpu.memory_space<vmem>>
    %dma_start3A_12 = tpu.memref_squeeze %dma_start3A_11 : memref<1x32xi32, #tpu.memory_space<vmem>> -> memref<32xi32, #tpu.memory_space<vmem>>
    %dma_start3A_13 = arith.constant 0 : i32
    %dma_start3A_14 = arith.constant 0 : i32
    %dma_start3A_15 = tpu.memref_slice %arg2[%dma_start3A_13, %dma_start3A_14] : memref<10240x128xf32, #tpu.memory_space<hbm>> -> memref<10240x128xf32, #tpu.memory_space<hbm>>
    tpu.enqueue_indirect_dma source(%dma_start3A_15 : memref<10240x128xf32, #tpu.memory_space<hbm>>) target(%arg10 : memref<32x128xf32, #tpu.memory_space<vmem>>) offsets(%dma_start3A_12 : memref<32xi32, #tpu.memory_space<vmem>>) semaphore(%arg15 : memref<!tpu.dma_semaphore, #tpu.memory_space<semaphore_mem>>)
    %dma_start3A_16 = arith.constant 0 : i32
    %dma_start3A_17 = arith.constant 64 : i32
    %dma_start3A_18 = tpu.memref_slice %arg7[%dma_start3A_16, %dma_start3A_17] : memref<80x128xi32, #tpu.memory_space<vmem>> -> memref<1x32xi32, #tpu.memory_space<vmem>>
    %dma_start3A_19 = tpu.memref_squeeze %dma_start3A_18 : memref<1x32xi32, #tpu.memory_space<vmem>> -> memref<32xi32, #tpu.memory_space<vmem>>
    %dma_start3A_20 = arith.constant 0 : i32
    %dma_start3A_21 = arith.constant 0 : i32
    %dma_start3A_22 = tpu.memref_slice %arg2[%dma_start3A_20, %dma_start3A_21] : memref<10240x128xf32, #tpu.memory_space<hbm>> -> memref<10240x128xf32, #tpu.memory_space<hbm>>
    tpu.enqueue_indirect_dma source(%dma_start3A_22 : memref<10240x128xf32, #tpu.memory_space<hbm>>) target(%arg11 : memref<32x128xf32, #tpu.memory_space<vmem>>) offsets(%dma_start3A_19 : memref<32xi32, #tpu.memory_space<vmem>>) semaphore(%arg16 : memref<!tpu.dma_semaphore, #tpu.memory_space<semaphore_mem>>)
    %scan3A = arith.constant 0 : i32
    %scan3A_23 = arith.constant 80 : i32
    %scan3A_24 = arith.addi %scan3A, %scan3A_23 : i32
    %scan3A_25 = arith.constant 1 : i32
    scf.for %scan3A_28 = %scan3A to %scan3A_24 step %scan3A_25  : i32 {
      %mul3A_29 = arith.constant 1 : i32
      %mul3A_30 = arith.muli %scan3A_28, %mul3A_29 : i32
      %add3A_31 = arith.constant 0 : i32
      %add3A_32 = arith.addi %add3A_31, %mul3A_30 : i32
      %mul3A_33 = arith.constant 4 : i32
      %mul3A_34 = arith.muli %mul3A_33, %add3A_32 : i32
      %add3A_35 = arith.constant 3 : i32
      %add3A_36 = arith.addi %mul3A_34, %add3A_35 : i32
      %lt3A = arith.constant 320 : i32
      %lt3A_37 = arith.cmpi slt, %add3A_36, %lt3A : i32
      %convert_element_type3A = arith.extui %lt3A_37 : i1 to i32
      %cond3A = arith.constant 0 : i32
      %cond3A_38 = arith.cmpi ne, %convert_element_type3A, %cond3A : i32
      scf.if %cond3A_38 {
        %add3A_89 = arith.constant 0 : i32
        %add3A_90 = arith.addi %add3A_32, %add3A_89 : i32
        %dma_start3A_91 = arith.constant 96 : i32
        %dma_start3A_92 = tpu.memref_slice %arg7[%add3A_90, %dma_start3A_91] : memref<80x128xi32, #tpu.memory_space<vmem>> -> memref<1x32xi32, #tpu.memory_space<vmem>>
        %dma_start3A_93 = tpu.memref_squeeze %dma_start3A_92 : memref<1x32xi32, #tpu.memory_space<vmem>> -> memref<32xi32, #tpu.memory_space<vmem>>
        %dma_start3A_94 = arith.constant 0 : i32
        %dma_start3A_95 = arith.constant 0 : i32
        %dma_start3A_96 = tpu.memref_slice %arg2[%dma_start3A_94, %dma_start3A_95] : memref<10240x128xf32, #tpu.memory_space<hbm>> -> memref<10240x128xf32, #tpu.memory_space<hbm>>
        tpu.enqueue_indirect_dma source(%dma_start3A_96 : memref<10240x128xf32, #tpu.memory_space<hbm>>) target(%arg12 : memref<32x128xf32, #tpu.memory_space<vmem>>) offsets(%dma_start3A_93 : memref<32xi32, #tpu.memory_space<vmem>>) semaphore(%arg17 : memref<!tpu.dma_semaphore, #tpu.memory_space<semaphore_mem>>)
      } else {
      }
      %dma_wait3A = arith.constant 0 : i32
      %dma_wait3A_39 = tpu.memref_slice %arg7[%add3A_32, %dma_wait3A] : memref<80x128xi32, #tpu.memory_space<vmem>> -> memref<1x32xi32, #tpu.memory_space<vmem>>
      %dma_wait3A_40 = tpu.memref_squeeze %dma_wait3A_39 : memref<1x32xi32, #tpu.memory_space<vmem>> -> memref<32xi32, #tpu.memory_space<vmem>>
      %dma_wait3A_41 = arith.constant 0 : i32
      %dma_wait3A_42 = arith.constant 0 : i32
      %dma_wait3A_43 = tpu.memref_slice %arg2[%dma_wait3A_41, %dma_wait3A_42] : memref<10240x128xf32, #tpu.memory_space<hbm>> -> memref<10240x128xf32, #tpu.memory_space<hbm>>
      tpu.wait_indirect_dma semaphore(%arg14 : memref<!tpu.dma_semaphore, #tpu.memory_space<semaphore_mem>>) src(%dma_wait3A_43 : memref<10240x128xf32, #tpu.memory_space<hbm>>) dst(%arg9 : memref<32x128xf32, #tpu.memory_space<vmem>>)
      "tpu.region"() ({
        %run_scoped3A = tpu.sem_alloc : memref<!tpu.dma_semaphore, #tpu.memory_space<semaphore_mem>>
        %dma_start3A_89 = arith.constant 0 : i32
        %dma_start3A_90 = tpu.memref_slice %arg8[%add3A_32, %dma_start3A_89] : memref<80x128xi32, #tpu.memory_space<vmem>> -> memref<1x32xi32, #tpu.memory_space<vmem>>
        %dma_start3A_91 = tpu.memref_squeeze %dma_start3A_90 : memref<1x32xi32, #tpu.memory_space<vmem>> -> memref<32xi32, #tpu.memory_space<vmem>>
        %dma_start3A_92 = arith.constant 0 : i32
        %dma_start3A_93 = arith.constant 0 : i32
        %dma_start3A_94 = tpu.memref_slice %arg13[%dma_start3A_92, %dma_start3A_93] : memref<10240x128xf32, #tpu.memory_space<vmem_shared>> -> memref<10240x128xf32, #tpu.memory_space<vmem_shared>>
        tpu.enqueue_indirect_dma source(%arg9 : memref<32x128xf32, #tpu.memory_space<vmem>>) target(%dma_start3A_94 : memref<10240x128xf32, #tpu.memory_space<vmem_shared>>) offsets(%dma_start3A_91 : memref<32xi32, #tpu.memory_space<vmem>>) semaphore(%run_scoped3A : memref<!tpu.dma_semaphore, #tpu.memory_space<semaphore_mem>>) {add = true}
        %dma_wait3A_95 = arith.constant 0 : i32
        %dma_wait3A_96 = tpu.memref_slice %arg8[%add3A_32, %dma_wait3A_95] : memref<80x128xi32, #tpu.memory_space<vmem>> -> memref<1x32xi32, #tpu.memory_space<vmem>>
        %dma_wait3A_97 = tpu.memref_squeeze %dma_wait3A_96 : memref<1x32xi32, #tpu.memory_space<vmem>> -> memref<32xi32, #tpu.memory_space<vmem>>
        %dma_wait3A_98 = arith.constant 0 : i32
        %dma_wait3A_99 = arith.constant 0 : i32
        %dma_wait3A_100 = tpu.memref_slice %arg13[%dma_wait3A_98, %dma_wait3A_99] : memref<10240x128xf32, #tpu.memory_space<vmem_shared>> -> memref<10240x128xf32, #tpu.memory_space<vmem_shared>>
        tpu.wait_indirect_dma semaphore(%run_scoped3A : memref<!tpu.dma_semaphore, #tpu.memory_space<semaphore_mem>>) src(%arg9 : memref<32x128xf32, #tpu.memory_space<vmem>>) dst(%dma_wait3A_100 : memref<10240x128xf32, #tpu.memory_space<vmem_shared>>)
        tpu.yield
      }) : () -> ()
      %mul3A_44 = arith.constant 4 : i32
      %mul3A_45 = arith.muli %mul3A_44, %add3A_32 : i32
      %add3A_46 = arith.constant 4 : i32
      %add3A_47 = arith.addi %mul3A_45, %add3A_46 : i32
      %lt3A_48 = arith.constant 320 : i32
      %lt3A_49 = arith.cmpi slt, %add3A_47, %lt3A_48 : i32
      %convert_element_type3A_50 = arith.extui %lt3A_49 : i1 to i32
      %cond3A_51 = arith.constant 0 : i32
      %cond3A_52 = arith.cmpi ne, %convert_element_type3A_50, %cond3A_51 : i32
      scf.if %cond3A_52 {
        %add3A_89 = arith.constant 1 : i32
        %add3A_90 = arith.addi %add3A_32, %add3A_89 : i32
        %dma_start3A_91 = arith.constant 0 : i32
        %dma_start3A_92 = tpu.memref_slice %arg7[%add3A_90, %dma_start3A_91] : memref<80x128xi32, #tpu.memory_space<vmem>> -> memref<1x32xi32, #tpu.memory_space<vmem>>
        %dma_start3A_93 = tpu.memref_squeeze %dma_start3A_92 : memref<1x32xi32, #tpu.memory_space<vmem>> -> memref<32xi32, #tpu.memory_space<vmem>>
        %dma_start3A_94 = arith.constant 0 : i32
        %dma_start3A_95 = arith.constant 0 : i32
        %dma_start3A_96 = tpu.memref_slice %arg2[%dma_start3A_94, %dma_start3A_95] : memref<10240x128xf32, #tpu.memory_space<hbm>> -> memref<10240x128xf32, #tpu.memory_space<hbm>>
        tpu.enqueue_indirect_dma source(%dma_start3A_96 : memref<10240x128xf32, #tpu.memory_space<hbm>>) target(%arg9 : memref<32x128xf32, #tpu.memory_space<vmem>>) offsets(%dma_start3A_93 : memref<32xi32, #tpu.memory_space<vmem>>) semaphore(%arg14 : memref<!tpu.dma_semaphore, #tpu.memory_space<semaphore_mem>>)
      } else {
      }
      %dma_wait3A_53 = arith.constant 32 : i32
      %dma_wait3A_54 = tpu.memref_slice %arg7[%add3A_32, %dma_wait3A_53] : memref<80x128xi32, #tpu.memory_space<vmem>> -> memref<1x32xi32, #tpu.memory_space<vmem>>
      %dma_wait3A_55 = tpu.memref_squeeze %dma_wait3A_54 : memref<1x32xi32, #tpu.memory_space<vmem>> -> memref<32xi32, #tpu.memory_space<vmem>>
      %dma_wait3A_56 = arith.constant 0 : i32
      %dma_wait3A_57 = arith.constant 0 : i32
      %dma_wait3A_58 = tpu.memref_slice %arg2[%dma_wait3A_56, %dma_wait3A_57] : memref<10240x128xf32, #tpu.memory_space<hbm>> -> memref<10240x128xf32, #tpu.memory_space<hbm>>
      tpu.wait_indirect_dma semaphore(%arg15 : memref<!tpu.dma_semaphore, #tpu.memory_space<semaphore_mem>>) src(%dma_wait3A_58 : memref<10240x128xf32, #tpu.memory_space<hbm>>) dst(%arg10 : memref<32x128xf32, #tpu.memory_space<vmem>>)
      "tpu.region"() ({
        %run_scoped3A = tpu.sem_alloc : memref<!tpu.dma_semaphore, #tpu.memory_space<semaphore_mem>>
        %dma_start3A_89 = arith.constant 32 : i32
        %dma_start3A_90 = tpu.memref_slice %arg8[%add3A_32, %dma_start3A_89] : memref<80x128xi32, #tpu.memory_space<vmem>> -> memref<1x32xi32, #tpu.memory_space<vmem>>
        %dma_start3A_91 = tpu.memref_squeeze %dma_start3A_90 : memref<1x32xi32, #tpu.memory_space<vmem>> -> memref<32xi32, #tpu.memory_space<vmem>>
        %dma_start3A_92 = arith.constant 0 : i32
        %dma_start3A_93 = arith.constant 0 : i32
        %dma_start3A_94 = tpu.memref_slice %arg13[%dma_start3A_92, %dma_start3A_93] : memref<10240x128xf32, #tpu.memory_space<vmem_shared>> -> memref<10240x128xf32, #tpu.memory_space<vmem_shared>>
        tpu.enqueue_indirect_dma source(%arg10 : memref<32x128xf32, #tpu.memory_space<vmem>>) target(%dma_start3A_94 : memref<10240x128xf32, #tpu.memory_space<vmem_shared>>) offsets(%dma_start3A_91 : memref<32xi32, #tpu.memory_space<vmem>>) semaphore(%run_scoped3A : memref<!tpu.dma_semaphore, #tpu.memory_space<semaphore_mem>>) {add = true}
        %dma_wait3A_95 = arith.constant 32 : i32
        %dma_wait3A_96 = tpu.memref_slice %arg8[%add3A_32, %dma_wait3A_95] : memref<80x128xi32, #tpu.memory_space<vmem>> -> memref<1x32xi32, #tpu.memory_space<vmem>>
        %dma_wait3A_97 = tpu.memref_squeeze %dma_wait3A_96 : memref<1x32xi32, #tpu.memory_space<vmem>> -> memref<32xi32, #tpu.memory_space<vmem>>
        %dma_wait3A_98 = arith.constant 0 : i32
        %dma_wait3A_99 = arith.constant 0 : i32
        %dma_wait3A_100 = tpu.memref_slice %arg13[%dma_wait3A_98, %dma_wait3A_99] : memref<10240x128xf32, #tpu.memory_space<vmem_shared>> -> memref<10240x128xf32, #tpu.memory_space<vmem_shared>>
        tpu.wait_indirect_dma semaphore(%run_scoped3A : memref<!tpu.dma_semaphore, #tpu.memory_space<semaphore_mem>>) src(%arg10 : memref<32x128xf32, #tpu.memory_space<vmem>>) dst(%dma_wait3A_100 : memref<10240x128xf32, #tpu.memory_space<vmem_shared>>)
        tpu.yield
      }) : () -> ()
      %mul3A_59 = arith.constant 4 : i32
      %mul3A_60 = arith.muli %mul3A_59, %add3A_32 : i32
      %add3A_61 = arith.constant 5 : i32
      %add3A_62 = arith.addi %mul3A_60, %add3A_61 : i32
      %lt3A_63 = arith.constant 320 : i32
      %lt3A_64 = arith.cmpi slt, %add3A_62, %lt3A_63 : i32
      %convert_element_type3A_65 = arith.extui %lt3A_64 : i1 to i32
      %cond3A_66 = arith.constant 0 : i32
      %cond3A_67 = arith.cmpi ne, %convert_element_type3A_65, %cond3A_66 : i32
      scf.if %cond3A_67 {
        %add3A_89 = arith.constant 1 : i32
        %add3A_90 = arith.addi %add3A_32, %add3A_89 : i32
        %dma_start3A_91 = arith.constant 32 : i32
        %dma_start3A_92 = tpu.memref_slice %arg7[%add3A_90, %dma_start3A_91] : memref<80x128xi32, #tpu.memory_space<vmem>> -> memref<1x32xi32, #tpu.memory_space<vmem>>
        %dma_start3A_93 = tpu.memref_squeeze %dma_start3A_92 : memref<1x32xi32, #tpu.memory_space<vmem>> -> memref<32xi32, #tpu.memory_space<vmem>>
        %dma_start3A_94 = arith.constant 0 : i32
        %dma_start3A_95 = arith.constant 0 : i32
        %dma_start3A_96 = tpu.memref_slice %arg2[%dma_start3A_94, %dma_start3A_95] : memref<10240x128xf32, #tpu.memory_space<hbm>> -> memref<10240x128xf32, #tpu.memory_space<hbm>>
        tpu.enqueue_indirect_dma source(%dma_start3A_96 : memref<10240x128xf32, #tpu.memory_space<hbm>>) target(%arg10 : memref<32x128xf32, #tpu.memory_space<vmem>>) offsets(%dma_start3A_93 : memref<32xi32, #tpu.memory_space<vmem>>) semaphore(%arg15 : memref<!tpu.dma_semaphore, #tpu.memory_space<semaphore_mem>>)
      } else {
      }
      %dma_wait3A_68 = arith.constant 64 : i32
      %dma_wait3A_69 = tpu.memref_slice %arg7[%add3A_32, %dma_wait3A_68] : memref<80x128xi32, #tpu.memory_space<vmem>> -> memref<1x32xi32, #tpu.memory_space<vmem>>
      %dma_wait3A_70 = tpu.memref_squeeze %dma_wait3A_69 : memref<1x32xi32, #tpu.memory_space<vmem>> -> memref<32xi32, #tpu.memory_space<vmem>>
      %dma_wait3A_71 = arith.constant 0 : i32
      %dma_wait3A_72 = arith.constant 0 : i32
      %dma_wait3A_73 = tpu.memref_slice %arg2[%dma_wait3A_71, %dma_wait3A_72] : memref<10240x128xf32, #tpu.memory_space<hbm>> -> memref<10240x128xf32, #tpu.memory_space<hbm>>
      tpu.wait_indirect_dma semaphore(%arg16 : memref<!tpu.dma_semaphore, #tpu.memory_space<semaphore_mem>>) src(%dma_wait3A_73 : memref<10240x128xf32, #tpu.memory_space<hbm>>) dst(%arg11 : memref<32x128xf32, #tpu.memory_space<vmem>>)
      "tpu.region"() ({
        %run_scoped3A = tpu.sem_alloc : memref<!tpu.dma_semaphore, #tpu.memory_space<semaphore_mem>>
        %dma_start3A_89 = arith.constant 64 : i32
        %dma_start3A_90 = tpu.memref_slice %arg8[%add3A_32, %dma_start3A_89] : memref<80x128xi32, #tpu.memory_space<vmem>> -> memref<1x32xi32, #tpu.memory_space<vmem>>
        %dma_start3A_91 = tpu.memref_squeeze %dma_start3A_90 : memref<1x32xi32, #tpu.memory_space<vmem>> -> memref<32xi32, #tpu.memory_space<vmem>>
        %dma_start3A_92 = arith.constant 0 : i32
        %dma_start3A_93 = arith.constant 0 : i32
        %dma_start3A_94 = tpu.memref_slice %arg13[%dma_start3A_92, %dma_start3A_93] : memref<10240x128xf32, #tpu.memory_space<vmem_shared>> -> memref<10240x128xf32, #tpu.memory_space<vmem_shared>>
        tpu.enqueue_indirect_dma source(%arg11 : memref<32x128xf32, #tpu.memory_space<vmem>>) target(%dma_start3A_94 : memref<10240x128xf32, #tpu.memory_space<vmem_shared>>) offsets(%dma_start3A_91 : memref<32xi32, #tpu.memory_space<vmem>>) semaphore(%run_scoped3A : memref<!tpu.dma_semaphore, #tpu.memory_space<semaphore_mem>>) {add = true}
        %dma_wait3A_95 = arith.constant 64 : i32
        %dma_wait3A_96 = tpu.memref_slice %arg8[%add3A_32, %dma_wait3A_95] : memref<80x128xi32, #tpu.memory_space<vmem>> -> memref<1x32xi32, #tpu.memory_space<vmem>>
        %dma_wait3A_97 = tpu.memref_squeeze %dma_wait3A_96 : memref<1x32xi32, #tpu.memory_space<vmem>> -> memref<32xi32, #tpu.memory_space<vmem>>
        %dma_wait3A_98 = arith.constant 0 : i32
        %dma_wait3A_99 = arith.constant 0 : i32
        %dma_wait3A_100 = tpu.memref_slice %arg13[%dma_wait3A_98, %dma_wait3A_99] : memref<10240x128xf32, #tpu.memory_space<vmem_shared>> -> memref<10240x128xf32, #tpu.memory_space<vmem_shared>>
        tpu.wait_indirect_dma semaphore(%run_scoped3A : memref<!tpu.dma_semaphore, #tpu.memory_space<semaphore_mem>>) src(%arg11 : memref<32x128xf32, #tpu.memory_space<vmem>>) dst(%dma_wait3A_100 : memref<10240x128xf32, #tpu.memory_space<vmem_shared>>)
        tpu.yield
      }) : () -> ()
      %mul3A_74 = arith.constant 4 : i32
      %mul3A_75 = arith.muli %mul3A_74, %add3A_32 : i32
      %add3A_76 = arith.constant 6 : i32
      %add3A_77 = arith.addi %mul3A_75, %add3A_76 : i32
      %lt3A_78 = arith.constant 320 : i32
      %lt3A_79 = arith.cmpi slt, %add3A_77, %lt3A_78 : i32
      %convert_element_type3A_80 = arith.extui %lt3A_79 : i1 to i32
      %cond3A_81 = arith.constant 0 : i32
      %cond3A_82 = arith.cmpi ne, %convert_element_type3A_80, %cond3A_81 : i32
      scf.if %cond3A_82 {
        %add3A_89 = arith.constant 1 : i32
        %add3A_90 = arith.addi %add3A_32, %add3A_89 : i32
        %dma_start3A_91 = arith.constant 64 : i32
        %dma_start3A_92 = tpu.memref_slice %arg7[%add3A_90, %dma_start3A_91] : memref<80x128xi32, #tpu.memory_space<vmem>> -> memref<1x32xi32, #tpu.memory_space<vmem>>
        %dma_start3A_93 = tpu.memref_squeeze %dma_start3A_92 : memref<1x32xi32, #tpu.memory_space<vmem>> -> memref<32xi32, #tpu.memory_space<vmem>>
        %dma_start3A_94 = arith.constant 0 : i32
        %dma_start3A_95 = arith.constant 0 : i32
        %dma_start3A_96 = tpu.memref_slice %arg2[%dma_start3A_94, %dma_start3A_95] : memref<10240x128xf32, #tpu.memory_space<hbm>> -> memref<10240x128xf32, #tpu.memory_space<hbm>>
        tpu.enqueue_indirect_dma source(%dma_start3A_96 : memref<10240x128xf32, #tpu.memory_space<hbm>>) target(%arg11 : memref<32x128xf32, #tpu.memory_space<vmem>>) offsets(%dma_start3A_93 : memref<32xi32, #tpu.memory_space<vmem>>) semaphore(%arg16 : memref<!tpu.dma_semaphore, #tpu.memory_space<semaphore_mem>>)
      } else {
      }
      %dma_wait3A_83 = arith.constant 96 : i32
      %dma_wait3A_84 = tpu.memref_slice %arg7[%add3A_32, %dma_wait3A_83] : memref<80x128xi32, #tpu.memory_space<vmem>> -> memref<1x32xi32, #tpu.memory_space<vmem>>
      %dma_wait3A_85 = tpu.memref_squeeze %dma_wait3A_84 : memref<1x32xi32, #tpu.memory_space<vmem>> -> memref<32xi32, #tpu.memory_space<vmem>>
      %dma_wait3A_86 = arith.constant 0 : i32
      %dma_wait3A_87 = arith.constant 0 : i32
      %dma_wait3A_88 = tpu.memref_slice %arg2[%dma_wait3A_86, %dma_wait3A_87] : memref<10240x128xf32, #tpu.memory_space<hbm>> -> memref<10240x128xf32, #tpu.memory_space<hbm>>
      tpu.wait_indirect_dma semaphore(%arg17 : memref<!tpu.dma_semaphore, #tpu.memory_space<semaphore_mem>>) src(%dma_wait3A_88 : memref<10240x128xf32, #tpu.memory_space<hbm>>) dst(%arg12 : memref<32x128xf32, #tpu.memory_space<vmem>>)
      "tpu.region"() ({
        %run_scoped3A = tpu.sem_alloc : memref<!tpu.dma_semaphore, #tpu.memory_space<semaphore_mem>>
        %dma_start3A_89 = arith.constant 96 : i32
        %dma_start3A_90 = tpu.memref_slice %arg8[%add3A_32, %dma_start3A_89] : memref<80x128xi32, #tpu.memory_space<vmem>> -> memref<1x32xi32, #tpu.memory_space<vmem>>
        %dma_start3A_91 = tpu.memref_squeeze %dma_start3A_90 : memref<1x32xi32, #tpu.memory_space<vmem>> -> memref<32xi32, #tpu.memory_space<vmem>>
        %dma_start3A_92 = arith.constant 0 : i32
        %dma_start3A_93 = arith.constant 0 : i32
        %dma_start3A_94 = tpu.memref_slice %arg13[%dma_start3A_92, %dma_start3A_93] : memref<10240x128xf32, #tpu.memory_space<vmem_shared>> -> memref<10240x128xf32, #tpu.memory_space<vmem_shared>>
        tpu.enqueue_indirect_dma source(%arg12 : memref<32x128xf32, #tpu.memory_space<vmem>>) target(%dma_start3A_94 : memref<10240x128xf32, #tpu.memory_space<vmem_shared>>) offsets(%dma_start3A_91 : memref<32xi32, #tpu.memory_space<vmem>>) semaphore(%run_scoped3A : memref<!tpu.dma_semaphore, #tpu.memory_space<semaphore_mem>>) {add = true}
        %dma_wait3A_95 = arith.constant 96 : i32
        %dma_wait3A_96 = tpu.memref_slice %arg8[%add3A_32, %dma_wait3A_95] : memref<80x128xi32, #tpu.memory_space<vmem>> -> memref<1x32xi32, #tpu.memory_space<vmem>>
        %dma_wait3A_97 = tpu.memref_squeeze %dma_wait3A_96 : memref<1x32xi32, #tpu.memory_space<vmem>> -> memref<32xi32, #tpu.memory_space<vmem>>
        %dma_wait3A_98 = arith.constant 0 : i32
        %dma_wait3A_99 = arith.constant 0 : i32
        %dma_wait3A_100 = tpu.memref_slice %arg13[%dma_wait3A_98, %dma_wait3A_99] : memref<10240x128xf32, #tpu.memory_space<vmem_shared>> -> memref<10240x128xf32, #tpu.memory_space<vmem_shared>>
        tpu.wait_indirect_dma semaphore(%run_scoped3A : memref<!tpu.dma_semaphore, #tpu.memory_space<semaphore_mem>>) src(%arg12 : memref<32x128xf32, #tpu.memory_space<vmem>>) dst(%dma_wait3A_100 : memref<10240x128xf32, #tpu.memory_space<vmem_shared>>)
        tpu.yield
      }) : () -> ()
    }
    %scan3A_26 = arith.constant 80 : i32
    %barrier3A_27 = arith.constant 0 : index
    tpu.barrier barrier_id(%barrier3A_27)
    "tpu.region"() ({
      %run_scoped3A = tpu.sem_alloc : memref<!tpu.dma_semaphore, #tpu.memory_space<semaphore_mem>>
      %dma_start3A_28 = arith.constant 0 : i32
      %dma_start3A_29 = tpu.memref_slice %arg6[%arg0, %mul3A_2, %dma_start3A_28] : memref<2x10240x128xf32, #tpu.memory_space<hbm>> -> memref<1x640x128xf32, #tpu.memory_space<hbm>>
      %dma_start3A_30 = tpu.memref_squeeze %dma_start3A_29 : memref<1x640x128xf32, #tpu.memory_space<hbm>> -> memref<640x128xf32, #tpu.memory_space<hbm>>
      %dma_start3A_31 = arith.constant 0 : i32
      %dma_start3A_32 = tpu.memref_slice %arg13[%mul3A_2, %dma_start3A_31] : memref<10240x128xf32, #tpu.memory_space<vmem_shared>> -> memref<640x128xf32, #tpu.memory_space<vmem_shared>>
      tpu.enqueue_dma source(%dma_start3A_32 : memref<640x128xf32, #tpu.memory_space<vmem_shared>>) target(%dma_start3A_30 : memref<640x128xf32, #tpu.memory_space<hbm>>) target_semaphore(%run_scoped3A : memref<!tpu.dma_semaphore, #tpu.memory_space<semaphore_mem>>)
      %dma_wait3A = arith.constant 0 : i32
      %dma_wait3A_33 = tpu.memref_slice %arg6[%arg0, %mul3A_2, %dma_wait3A] : memref<2x10240x128xf32, #tpu.memory_space<hbm>> -> memref<1x640x128xf32, #tpu.memory_space<hbm>>
      %dma_wait3A_34 = tpu.memref_squeeze %dma_wait3A_33 : memref<1x640x128xf32, #tpu.memory_space<hbm>> -> memref<640x128xf32, #tpu.memory_space<hbm>>
      %dma_wait3A_35 = arith.constant 0 : i32
      %dma_wait3A_36 = tpu.memref_slice %arg13[%mul3A_2, %dma_wait3A_35] : memref<10240x128xf32, #tpu.memory_space<vmem_shared>> -> memref<640x128xf32, #tpu.memory_space<vmem_shared>>
      tpu.wait_dma2 semaphore(%run_scoped3A : memref<!tpu.dma_semaphore, #tpu.memory_space<semaphore_mem>>) src(%dma_wait3A_36 : memref<640x128xf32, #tpu.memory_space<vmem_shared>>) dst(%dma_wait3A_34 : memref<640x128xf32, #tpu.memory_space<hbm>>)
      tpu.yield
    }) : () -> ()
    return
  }
}

#map = affine_map<(d0, d1) -> (0, 0)>
#map1 = affine_map<(d0, d1) -> (0, 0, 0)>
module attributes {stable_mosaic.version = 14 : i64} {
  func.func @_scat_body(%arg0: i32, %arg1: i32, %arg2: memref<10240x128xf32, #tpu.memory_space<hbm>>, %arg3: memref<32x80x128xi32, #tpu.memory_space<hbm>>, %arg4: memref<32x80x128xi32, #tpu.memory_space<hbm>>, %arg5: memref<10240x128xf32, #tpu.memory_space<hbm>>, %arg6: memref<2x10240x128xf32, #tpu.memory_space<hbm>>, %arg7: memref<80x128xi32, #tpu.memory_space<vmem>>, %arg8: memref<80x128xi32, #tpu.memory_space<vmem>>, %arg9: memref<32x128xf32, #tpu.memory_space<vmem>>, %arg10: memref<32x128xf32, #tpu.memory_space<vmem>>, %arg11: memref<32x128xf32, #tpu.memory_space<vmem>>, %arg12: memref<32x128xf32, #tpu.memory_space<vmem>>, %arg13: memref<10240x128xf32, #tpu.memory_space<vmem_shared>>, %arg14: memref<!tpu.dma_semaphore, #tpu.memory_space<semaphore_mem>>, %arg15: memref<!tpu.dma_semaphore, #tpu.memory_space<semaphore_mem>>, %arg16: memref<!tpu.dma_semaphore, #tpu.memory_space<semaphore_mem>>, %arg17: memref<!tpu.dma_semaphore, #tpu.memory_space<semaphore_mem>>) attributes {dimension_semantics = [#tpu.dimension_semantics<core_parallel>, #tpu.dimension_semantics<subcore_parallel>], iteration_bounds = array<i64: 2, 16>, scalar_prefetch = 0 : i64, scratch_operands = 11 : i64, tpu.core_type = #tpu.core_type<sc_vector_subcore>, window_params = [{transform_indices = #map}, {transform_indices = #map1}, {transform_indices = #map1}, {transform_indices = #map}, {transform_indices = #map1}]} {
    %mul3A = arith.constant 2 : i32
    %mul3A_0 = arith.muli %arg1, %mul3A : i32
    %add3A = arith.addi %mul3A_0, %arg0 : i32
    %mul3A_1 = arith.constant 640 : i32
    %mul3A_2 = arith.muli %arg1, %mul3A_1 : i32
    "tpu.region"() ({
      %run_scoped3A = tpu.sem_alloc : memref<!tpu.dma_semaphore, #tpu.memory_space<semaphore_mem>>
      %dma_start3A_28 = arith.constant 0 : i32
      %dma_start3A_29 = tpu.memref_slice %arg13[%mul3A_2, %dma_start3A_28] : memref<10240x128xf32, #tpu.memory_space<vmem_shared>> -> memref<640x128xf32, #tpu.memory_space<vmem_shared>>
      %dma_start3A_30 = arith.constant 0 : i32
      %dma_start3A_31 = tpu.memref_slice %arg5[%mul3A_2, %dma_start3A_30] : memref<10240x128xf32, #tpu.memory_space<hbm>> -> memref<640x128xf32, #tpu.memory_space<hbm>>
      tpu.enqueue_dma source(%dma_start3A_31 : memref<640x128xf32, #tpu.memory_space<hbm>>) target(%dma_start3A_29 : memref<640x128xf32, #tpu.memory_space<vmem_shared>>) target_semaphore(%run_scoped3A : memref<!tpu.dma_semaphore, #tpu.memory_space<semaphore_mem>>)
      %dma_wait3A = arith.constant 0 : i32
      %dma_wait3A_32 = tpu.memref_slice %arg13[%mul3A_2, %dma_wait3A] : memref<10240x128xf32, #tpu.memory_space<vmem_shared>> -> memref<640x128xf32, #tpu.memory_space<vmem_shared>>
      %dma_wait3A_33 = arith.constant 0 : i32
      %dma_wait3A_34 = tpu.memref_slice %arg5[%mul3A_2, %dma_wait3A_33] : memref<10240x128xf32, #tpu.memory_space<hbm>> -> memref<640x128xf32, #tpu.memory_space<hbm>>
      tpu.wait_dma2 semaphore(%run_scoped3A : memref<!tpu.dma_semaphore, #tpu.memory_space<semaphore_mem>>) src(%dma_wait3A_34 : memref<640x128xf32, #tpu.memory_space<hbm>>) dst(%dma_wait3A_32 : memref<640x128xf32, #tpu.memory_space<vmem_shared>>)
      tpu.yield
    }) : () -> ()
    "tpu.region"() ({
      %run_scoped3A = tpu.sem_alloc : memref<!tpu.dma_semaphore, #tpu.memory_space<semaphore_mem>>
      %dma_start3A_28 = arith.constant 0 : i32
      %dma_start3A_29 = arith.constant 0 : i32
      %dma_start3A_30 = tpu.memref_slice %arg3[%add3A, %dma_start3A_28, %dma_start3A_29] : memref<32x80x128xi32, #tpu.memory_space<hbm>> -> memref<1x80x128xi32, #tpu.memory_space<hbm>>
      %dma_start3A_31 = tpu.memref_squeeze %dma_start3A_30 : memref<1x80x128xi32, #tpu.memory_space<hbm>> -> memref<80x128xi32, #tpu.memory_space<hbm>>
      %dma_start3A_32 = arith.constant 0 : i32
      %dma_start3A_33 = arith.constant 0 : i32
      %dma_start3A_34 = tpu.memref_slice %arg3[%add3A, %dma_start3A_32, %dma_start3A_33] : memref<32x80x128xi32, #tpu.memory_space<hbm>> -> memref<1x80x128xi32, #tpu.memory_space<hbm>>
      %dma_start3A_35 = tpu.memref_squeeze %dma_start3A_34 : memref<1x80x128xi32, #tpu.memory_space<hbm>> -> memref<80x128xi32, #tpu.memory_space<hbm>>
      tpu.enqueue_dma source(%dma_start3A_35 : memref<80x128xi32, #tpu.memory_space<hbm>>) target(%arg7 : memref<80x128xi32, #tpu.memory_space<vmem>>) target_semaphore(%run_scoped3A : memref<!tpu.dma_semaphore, #tpu.memory_space<semaphore_mem>>)
      %dma_wait3A = arith.constant 0 : i32
      %dma_wait3A_36 = arith.constant 0 : i32
      %dma_wait3A_37 = tpu.memref_slice %arg3[%add3A, %dma_wait3A, %dma_wait3A_36] : memref<32x80x128xi32, #tpu.memory_space<hbm>> -> memref<1x80x128xi32, #tpu.memory_space<hbm>>
      %dma_wait3A_38 = tpu.memref_squeeze %dma_wait3A_37 : memref<1x80x128xi32, #tpu.memory_space<hbm>> -> memref<80x128xi32, #tpu.memory_space<hbm>>
      %dma_wait3A_39 = arith.constant 0 : i32
      %dma_wait3A_40 = arith.constant 0 : i32
      %dma_wait3A_41 = tpu.memref_slice %arg3[%add3A, %dma_wait3A_39, %dma_wait3A_40] : memref<32x80x128xi32, #tpu.memory_space<hbm>> -> memref<1x80x128xi32, #tpu.memory_space<hbm>>
      %dma_wait3A_42 = tpu.memref_squeeze %dma_wait3A_41 : memref<1x80x128xi32, #tpu.memory_space<hbm>> -> memref<80x128xi32, #tpu.memory_space<hbm>>
      tpu.wait_dma2 semaphore(%run_scoped3A : memref<!tpu.dma_semaphore, #tpu.memory_space<semaphore_mem>>) src(%dma_wait3A_42 : memref<80x128xi32, #tpu.memory_space<hbm>>) dst(%arg7 : memref<80x128xi32, #tpu.memory_space<vmem>>)
      tpu.yield
    }) : () -> ()
    "tpu.region"() ({
      %run_scoped3A = tpu.sem_alloc : memref<!tpu.dma_semaphore, #tpu.memory_space<semaphore_mem>>
      %dma_start3A_28 = arith.constant 0 : i32
      %dma_start3A_29 = arith.constant 0 : i32
      %dma_start3A_30 = tpu.memref_slice %arg4[%add3A, %dma_start3A_28, %dma_start3A_29] : memref<32x80x128xi32, #tpu.memory_space<hbm>> -> memref<1x80x128xi32, #tpu.memory_space<hbm>>
      %dma_start3A_31 = tpu.memref_squeeze %dma_start3A_30 : memref<1x80x128xi32, #tpu.memory_space<hbm>> -> memref<80x128xi32, #tpu.memory_space<hbm>>
      %dma_start3A_32 = arith.constant 0 : i32
      %dma_start3A_33 = arith.constant 0 : i32
      %dma_start3A_34 = tpu.memref_slice %arg4[%add3A, %dma_start3A_32, %dma_start3A_33] : memref<32x80x128xi32, #tpu.memory_space<hbm>> -> memref<1x80x128xi32, #tpu.memory_space<hbm>>
      %dma_start3A_35 = tpu.memref_squeeze %dma_start3A_34 : memref<1x80x128xi32, #tpu.memory_space<hbm>> -> memref<80x128xi32, #tpu.memory_space<hbm>>
      tpu.enqueue_dma source(%dma_start3A_35 : memref<80x128xi32, #tpu.memory_space<hbm>>) target(%arg8 : memref<80x128xi32, #tpu.memory_space<vmem>>) target_semaphore(%run_scoped3A : memref<!tpu.dma_semaphore, #tpu.memory_space<semaphore_mem>>)
      %dma_wait3A = arith.constant 0 : i32
      %dma_wait3A_36 = arith.constant 0 : i32
      %dma_wait3A_37 = tpu.memref_slice %arg4[%add3A, %dma_wait3A, %dma_wait3A_36] : memref<32x80x128xi32, #tpu.memory_space<hbm>> -> memref<1x80x128xi32, #tpu.memory_space<hbm>>
      %dma_wait3A_38 = tpu.memref_squeeze %dma_wait3A_37 : memref<1x80x128xi32, #tpu.memory_space<hbm>> -> memref<80x128xi32, #tpu.memory_space<hbm>>
      %dma_wait3A_39 = arith.constant 0 : i32
      %dma_wait3A_40 = arith.constant 0 : i32
      %dma_wait3A_41 = tpu.memref_slice %arg4[%add3A, %dma_wait3A_39, %dma_wait3A_40] : memref<32x80x128xi32, #tpu.memory_space<hbm>> -> memref<1x80x128xi32, #tpu.memory_space<hbm>>
      %dma_wait3A_42 = tpu.memref_squeeze %dma_wait3A_41 : memref<1x80x128xi32, #tpu.memory_space<hbm>> -> memref<80x128xi32, #tpu.memory_space<hbm>>
      tpu.wait_dma2 semaphore(%run_scoped3A : memref<!tpu.dma_semaphore, #tpu.memory_space<semaphore_mem>>) src(%dma_wait3A_42 : memref<80x128xi32, #tpu.memory_space<hbm>>) dst(%arg8 : memref<80x128xi32, #tpu.memory_space<vmem>>)
      tpu.yield
    }) : () -> ()
    %barrier3A = arith.constant 0 : index
    tpu.barrier barrier_id(%barrier3A)
    %dma_start3A = arith.constant 0 : i32
    %dma_start3A_3 = arith.constant 0 : i32
    %dma_start3A_4 = tpu.memref_slice %arg7[%dma_start3A, %dma_start3A_3] : memref<80x128xi32, #tpu.memory_space<vmem>> -> memref<1x32xi32, #tpu.memory_space<vmem>>
    %dma_start3A_5 = tpu.memref_squeeze %dma_start3A_4 : memref<1x32xi32, #tpu.memory_space<vmem>> -> memref<32xi32, #tpu.memory_space<vmem>>
    %dma_start3A_6 = arith.constant 0 : i32
    %dma_start3A_7 = arith.constant 0 : i32
    %dma_start3A_8 = tpu.memref_slice %arg2[%dma_start3A_6, %dma_start3A_7] : memref<10240x128xf32, #tpu.memory_space<hbm>> -> memref<10240x128xf32, #tpu.memory_space<hbm>>
    tpu.enqueue_indirect_dma source(%dma_start3A_8 : memref<10240x128xf32, #tpu.memory_space<hbm>>) target(%arg9 : memref<32x128xf32, #tpu.memory_space<vmem>>) offsets(%dma_start3A_5 : memref<32xi32, #tpu.memory_space<vmem>>) semaphore(%arg14 : memref<!tpu.dma_semaphore, #tpu.memory_space<semaphore_mem>>)
    %dma_start3A_9 = arith.constant 0 : i32
    %dma_start3A_10 = arith.constant 32 : i32
    %dma_start3A_11 = tpu.memref_slice %arg7[%dma_start3A_9, %dma_start3A_10] : memref<80x128xi32, #tpu.memory_space<vmem>> -> memref<1x32xi32, #tpu.memory_space<vmem>>
    %dma_start3A_12 = tpu.memref_squeeze %dma_start3A_11 : memref<1x32xi32, #tpu.memory_space<vmem>> -> memref<32xi32, #tpu.memory_space<vmem>>
    %dma_start3A_13 = arith.constant 0 : i32
    %dma_start3A_14 = arith.constant 0 : i32
    %dma_start3A_15 = tpu.memref_slice %arg2[%dma_start3A_13, %dma_start3A_14] : memref<10240x128xf32, #tpu.memory_space<hbm>> -> memref<10240x128xf32, #tpu.memory_space<hbm>>
    tpu.enqueue_indirect_dma source(%dma_start3A_15 : memref<10240x128xf32, #tpu.memory_space<hbm>>) target(%arg10 : memref<32x128xf32, #tpu.memory_space<vmem>>) offsets(%dma_start3A_12 : memref<32xi32, #tpu.memory_space<vmem>>) semaphore(%arg15 : memref<!tpu.dma_semaphore, #tpu.memory_space<semaphore_mem>>)
    %dma_start3A_16 = arith.constant 0 : i32
    %dma_start3A_17 = arith.constant 64 : i32
    %dma_start3A_18 = tpu.memref_slice %arg7[%dma_start3A_16, %dma_start3A_17] : memref<80x128xi32, #tpu.memory_space<vmem>> -> memref<1x32xi32, #tpu.memory_space<vmem>>
    %dma_start3A_19 = tpu.memref_squeeze %dma_start3A_18 : memref<1x32xi32, #tpu.memory_space<vmem>> -> memref<32xi32, #tpu.memory_space<vmem>>
    %dma_start3A_20 = arith.constant 0 : i32
    %dma_start3A_21 = arith.constant 0 : i32
    %dma_start3A_22 = tpu.memref_slice %arg2[%dma_start3A_20, %dma_start3A_21] : memref<10240x128xf32, #tpu.memory_space<hbm>> -> memref<10240x128xf32, #tpu.memory_space<hbm>>
    tpu.enqueue_indirect_dma source(%dma_start3A_22 : memref<10240x128xf32, #tpu.memory_space<hbm>>) target(%arg11 : memref<32x128xf32, #tpu.memory_space<vmem>>) offsets(%dma_start3A_19 : memref<32xi32, #tpu.memory_space<vmem>>) semaphore(%arg16 : memref<!tpu.dma_semaphore, #tpu.memory_space<semaphore_mem>>)
    %scan3A = arith.constant 0 : i32
    %scan3A_23 = arith.constant 80 : i32
    %scan3A_24 = arith.addi %scan3A, %scan3A_23 : i32
    %scan3A_25 = arith.constant 1 : i32
    scf.for %scan3A_28 = %scan3A to %scan3A_24 step %scan3A_25  : i32 {
      %mul3A_29 = arith.constant 1 : i32
      %mul3A_30 = arith.muli %scan3A_28, %mul3A_29 : i32
      %add3A_31 = arith.constant 0 : i32
      %add3A_32 = arith.addi %add3A_31, %mul3A_30 : i32
      %mul3A_33 = arith.constant 4 : i32
      %mul3A_34 = arith.muli %mul3A_33, %add3A_32 : i32
      %add3A_35 = arith.constant 3 : i32
      %add3A_36 = arith.addi %mul3A_34, %add3A_35 : i32
      %lt3A = arith.constant 320 : i32
      %lt3A_37 = arith.cmpi slt, %add3A_36, %lt3A : i32
      %convert_element_type3A = arith.extui %lt3A_37 : i1 to i32
      %cond3A = arith.constant 0 : i32
      %cond3A_38 = arith.cmpi ne, %convert_element_type3A, %cond3A : i32
      scf.if %cond3A_38 {
        %add3A_89 = arith.constant 0 : i32
        %add3A_90 = arith.addi %add3A_32, %add3A_89 : i32
        %dma_start3A_91 = arith.constant 96 : i32
        %dma_start3A_92 = tpu.memref_slice %arg7[%add3A_90, %dma_start3A_91] : memref<80x128xi32, #tpu.memory_space<vmem>> -> memref<1x32xi32, #tpu.memory_space<vmem>>
        %dma_start3A_93 = tpu.memref_squeeze %dma_start3A_92 : memref<1x32xi32, #tpu.memory_space<vmem>> -> memref<32xi32, #tpu.memory_space<vmem>>
        %dma_start3A_94 = arith.constant 0 : i32
        %dma_start3A_95 = arith.constant 0 : i32
        %dma_start3A_96 = tpu.memref_slice %arg2[%dma_start3A_94, %dma_start3A_95] : memref<10240x128xf32, #tpu.memory_space<hbm>> -> memref<10240x128xf32, #tpu.memory_space<hbm>>
        tpu.enqueue_indirect_dma source(%dma_start3A_96 : memref<10240x128xf32, #tpu.memory_space<hbm>>) target(%arg12 : memref<32x128xf32, #tpu.memory_space<vmem>>) offsets(%dma_start3A_93 : memref<32xi32, #tpu.memory_space<vmem>>) semaphore(%arg17 : memref<!tpu.dma_semaphore, #tpu.memory_space<semaphore_mem>>)
      } else {
      }
      %dma_wait3A = arith.constant 0 : i32
      %dma_wait3A_39 = tpu.memref_slice %arg7[%add3A_32, %dma_wait3A] : memref<80x128xi32, #tpu.memory_space<vmem>> -> memref<1x32xi32, #tpu.memory_space<vmem>>
      %dma_wait3A_40 = tpu.memref_squeeze %dma_wait3A_39 : memref<1x32xi32, #tpu.memory_space<vmem>> -> memref<32xi32, #tpu.memory_space<vmem>>
      %dma_wait3A_41 = arith.constant 0 : i32
      %dma_wait3A_42 = arith.constant 0 : i32
      %dma_wait3A_43 = tpu.memref_slice %arg2[%dma_wait3A_41, %dma_wait3A_42] : memref<10240x128xf32, #tpu.memory_space<hbm>> -> memref<10240x128xf32, #tpu.memory_space<hbm>>
      tpu.wait_indirect_dma semaphore(%arg14 : memref<!tpu.dma_semaphore, #tpu.memory_space<semaphore_mem>>) src(%dma_wait3A_43 : memref<10240x128xf32, #tpu.memory_space<hbm>>) dst(%arg9 : memref<32x128xf32, #tpu.memory_space<vmem>>)
      "tpu.region"() ({
        %run_scoped3A = tpu.sem_alloc : memref<!tpu.dma_semaphore, #tpu.memory_space<semaphore_mem>>
        %dma_start3A_89 = arith.constant 0 : i32
        %dma_start3A_90 = tpu.memref_slice %arg8[%add3A_32, %dma_start3A_89] : memref<80x128xi32, #tpu.memory_space<vmem>> -> memref<1x32xi32, #tpu.memory_space<vmem>>
        %dma_start3A_91 = tpu.memref_squeeze %dma_start3A_90 : memref<1x32xi32, #tpu.memory_space<vmem>> -> memref<32xi32, #tpu.memory_space<vmem>>
        %dma_start3A_92 = arith.constant 0 : i32
        %dma_start3A_93 = arith.constant 0 : i32
        %dma_start3A_94 = tpu.memref_slice %arg13[%dma_start3A_92, %dma_start3A_93] : memref<10240x128xf32, #tpu.memory_space<vmem_shared>> -> memref<10240x128xf32, #tpu.memory_space<vmem_shared>>
        tpu.enqueue_indirect_dma source(%arg9 : memref<32x128xf32, #tpu.memory_space<vmem>>) target(%dma_start3A_94 : memref<10240x128xf32, #tpu.memory_space<vmem_shared>>) offsets(%dma_start3A_91 : memref<32xi32, #tpu.memory_space<vmem>>) semaphore(%run_scoped3A : memref<!tpu.dma_semaphore, #tpu.memory_space<semaphore_mem>>) {add = true}
        %dma_wait3A_95 = arith.constant 0 : i32
        %dma_wait3A_96 = tpu.memref_slice %arg8[%add3A_32, %dma_wait3A_95] : memref<80x128xi32, #tpu.memory_space<vmem>> -> memref<1x32xi32, #tpu.memory_space<vmem>>
        %dma_wait3A_97 = tpu.memref_squeeze %dma_wait3A_96 : memref<1x32xi32, #tpu.memory_space<vmem>> -> memref<32xi32, #tpu.memory_space<vmem>>
        %dma_wait3A_98 = arith.constant 0 : i32
        %dma_wait3A_99 = arith.constant 0 : i32
        %dma_wait3A_100 = tpu.memref_slice %arg13[%dma_wait3A_98, %dma_wait3A_99] : memref<10240x128xf32, #tpu.memory_space<vmem_shared>> -> memref<10240x128xf32, #tpu.memory_space<vmem_shared>>
        tpu.wait_indirect_dma semaphore(%run_scoped3A : memref<!tpu.dma_semaphore, #tpu.memory_space<semaphore_mem>>) src(%arg9 : memref<32x128xf32, #tpu.memory_space<vmem>>) dst(%dma_wait3A_100 : memref<10240x128xf32, #tpu.memory_space<vmem_shared>>)
        tpu.yield
      }) : () -> ()
      %mul3A_44 = arith.constant 4 : i32
      %mul3A_45 = arith.muli %mul3A_44, %add3A_32 : i32
      %add3A_46 = arith.constant 4 : i32
      %add3A_47 = arith.addi %mul3A_45, %add3A_46 : i32
      %lt3A_48 = arith.constant 320 : i32
      %lt3A_49 = arith.cmpi slt, %add3A_47, %lt3A_48 : i32
      %convert_element_type3A_50 = arith.extui %lt3A_49 : i1 to i32
      %cond3A_51 = arith.constant 0 : i32
      %cond3A_52 = arith.cmpi ne, %convert_element_type3A_50, %cond3A_51 : i32
      scf.if %cond3A_52 {
        %add3A_89 = arith.constant 1 : i32
        %add3A_90 = arith.addi %add3A_32, %add3A_89 : i32
        %dma_start3A_91 = arith.constant 0 : i32
        %dma_start3A_92 = tpu.memref_slice %arg7[%add3A_90, %dma_start3A_91] : memref<80x128xi32, #tpu.memory_space<vmem>> -> memref<1x32xi32, #tpu.memory_space<vmem>>
        %dma_start3A_93 = tpu.memref_squeeze %dma_start3A_92 : memref<1x32xi32, #tpu.memory_space<vmem>> -> memref<32xi32, #tpu.memory_space<vmem>>
        %dma_start3A_94 = arith.constant 0 : i32
        %dma_start3A_95 = arith.constant 0 : i32
        %dma_start3A_96 = tpu.memref_slice %arg2[%dma_start3A_94, %dma_start3A_95] : memref<10240x128xf32, #tpu.memory_space<hbm>> -> memref<10240x128xf32, #tpu.memory_space<hbm>>
        tpu.enqueue_indirect_dma source(%dma_start3A_96 : memref<10240x128xf32, #tpu.memory_space<hbm>>) target(%arg9 : memref<32x128xf32, #tpu.memory_space<vmem>>) offsets(%dma_start3A_93 : memref<32xi32, #tpu.memory_space<vmem>>) semaphore(%arg14 : memref<!tpu.dma_semaphore, #tpu.memory_space<semaphore_mem>>)
      } else {
      }
      %dma_wait3A_53 = arith.constant 32 : i32
      %dma_wait3A_54 = tpu.memref_slice %arg7[%add3A_32, %dma_wait3A_53] : memref<80x128xi32, #tpu.memory_space<vmem>> -> memref<1x32xi32, #tpu.memory_space<vmem>>
      %dma_wait3A_55 = tpu.memref_squeeze %dma_wait3A_54 : memref<1x32xi32, #tpu.memory_space<vmem>> -> memref<32xi32, #tpu.memory_space<vmem>>
      %dma_wait3A_56 = arith.constant 0 : i32
      %dma_wait3A_57 = arith.constant 0 : i32
      %dma_wait3A_58 = tpu.memref_slice %arg2[%dma_wait3A_56, %dma_wait3A_57] : memref<10240x128xf32, #tpu.memory_space<hbm>> -> memref<10240x128xf32, #tpu.memory_space<hbm>>
      tpu.wait_indirect_dma semaphore(%arg15 : memref<!tpu.dma_semaphore, #tpu.memory_space<semaphore_mem>>) src(%dma_wait3A_58 : memref<10240x128xf32, #tpu.memory_space<hbm>>) dst(%arg10 : memref<32x128xf32, #tpu.memory_space<vmem>>)
      "tpu.region"() ({
        %run_scoped3A = tpu.sem_alloc : memref<!tpu.dma_semaphore, #tpu.memory_space<semaphore_mem>>
        %dma_start3A_89 = arith.constant 32 : i32
        %dma_start3A_90 = tpu.memref_slice %arg8[%add3A_32, %dma_start3A_89] : memref<80x128xi32, #tpu.memory_space<vmem>> -> memref<1x32xi32, #tpu.memory_space<vmem>>
        %dma_start3A_91 = tpu.memref_squeeze %dma_start3A_90 : memref<1x32xi32, #tpu.memory_space<vmem>> -> memref<32xi32, #tpu.memory_space<vmem>>
        %dma_start3A_92 = arith.constant 0 : i32
        %dma_start3A_93 = arith.constant 0 : i32
        %dma_start3A_94 = tpu.memref_slice %arg13[%dma_start3A_92, %dma_start3A_93] : memref<10240x128xf32, #tpu.memory_space<vmem_shared>> -> memref<10240x128xf32, #tpu.memory_space<vmem_shared>>
        tpu.enqueue_indirect_dma source(%arg10 : memref<32x128xf32, #tpu.memory_space<vmem>>) target(%dma_start3A_94 : memref<10240x128xf32, #tpu.memory_space<vmem_shared>>) offsets(%dma_start3A_91 : memref<32xi32, #tpu.memory_space<vmem>>) semaphore(%run_scoped3A : memref<!tpu.dma_semaphore, #tpu.memory_space<semaphore_mem>>) {add = true}
        %dma_wait3A_95 = arith.constant 32 : i32
        %dma_wait3A_96 = tpu.memref_slice %arg8[%add3A_32, %dma_wait3A_95] : memref<80x128xi32, #tpu.memory_space<vmem>> -> memref<1x32xi32, #tpu.memory_space<vmem>>
        %dma_wait3A_97 = tpu.memref_squeeze %dma_wait3A_96 : memref<1x32xi32, #tpu.memory_space<vmem>> -> memref<32xi32, #tpu.memory_space<vmem>>
        %dma_wait3A_98 = arith.constant 0 : i32
        %dma_wait3A_99 = arith.constant 0 : i32
        %dma_wait3A_100 = tpu.memref_slice %arg13[%dma_wait3A_98, %dma_wait3A_99] : memref<10240x128xf32, #tpu.memory_space<vmem_shared>> -> memref<10240x128xf32, #tpu.memory_space<vmem_shared>>
        tpu.wait_indirect_dma semaphore(%run_scoped3A : memref<!tpu.dma_semaphore, #tpu.memory_space<semaphore_mem>>) src(%arg10 : memref<32x128xf32, #tpu.memory_space<vmem>>) dst(%dma_wait3A_100 : memref<10240x128xf32, #tpu.memory_space<vmem_shared>>)
        tpu.yield
      }) : () -> ()
      %mul3A_59 = arith.constant 4 : i32
      %mul3A_60 = arith.muli %mul3A_59, %add3A_32 : i32
      %add3A_61 = arith.constant 5 : i32
      %add3A_62 = arith.addi %mul3A_60, %add3A_61 : i32
      %lt3A_63 = arith.constant 320 : i32
      %lt3A_64 = arith.cmpi slt, %add3A_62, %lt3A_63 : i32
      %convert_element_type3A_65 = arith.extui %lt3A_64 : i1 to i32
      %cond3A_66 = arith.constant 0 : i32
      %cond3A_67 = arith.cmpi ne, %convert_element_type3A_65, %cond3A_66 : i32
      scf.if %cond3A_67 {
        %add3A_89 = arith.constant 1 : i32
        %add3A_90 = arith.addi %add3A_32, %add3A_89 : i32
        %dma_start3A_91 = arith.constant 32 : i32
        %dma_start3A_92 = tpu.memref_slice %arg7[%add3A_90, %dma_start3A_91] : memref<80x128xi32, #tpu.memory_space<vmem>> -> memref<1x32xi32, #tpu.memory_space<vmem>>
        %dma_start3A_93 = tpu.memref_squeeze %dma_start3A_92 : memref<1x32xi32, #tpu.memory_space<vmem>> -> memref<32xi32, #tpu.memory_space<vmem>>
        %dma_start3A_94 = arith.constant 0 : i32
        %dma_start3A_95 = arith.constant 0 : i32
        %dma_start3A_96 = tpu.memref_slice %arg2[%dma_start3A_94, %dma_start3A_95] : memref<10240x128xf32, #tpu.memory_space<hbm>> -> memref<10240x128xf32, #tpu.memory_space<hbm>>
        tpu.enqueue_indirect_dma source(%dma_start3A_96 : memref<10240x128xf32, #tpu.memory_space<hbm>>) target(%arg10 : memref<32x128xf32, #tpu.memory_space<vmem>>) offsets(%dma_start3A_93 : memref<32xi32, #tpu.memory_space<vmem>>) semaphore(%arg15 : memref<!tpu.dma_semaphore, #tpu.memory_space<semaphore_mem>>)
      } else {
      }
      %dma_wait3A_68 = arith.constant 64 : i32
      %dma_wait3A_69 = tpu.memref_slice %arg7[%add3A_32, %dma_wait3A_68] : memref<80x128xi32, #tpu.memory_space<vmem>> -> memref<1x32xi32, #tpu.memory_space<vmem>>
      %dma_wait3A_70 = tpu.memref_squeeze %dma_wait3A_69 : memref<1x32xi32, #tpu.memory_space<vmem>> -> memref<32xi32, #tpu.memory_space<vmem>>
      %dma_wait3A_71 = arith.constant 0 : i32
      %dma_wait3A_72 = arith.constant 0 : i32
      %dma_wait3A_73 = tpu.memref_slice %arg2[%dma_wait3A_71, %dma_wait3A_72] : memref<10240x128xf32, #tpu.memory_space<hbm>> -> memref<10240x128xf32, #tpu.memory_space<hbm>>
      tpu.wait_indirect_dma semaphore(%arg16 : memref<!tpu.dma_semaphore, #tpu.memory_space<semaphore_mem>>) src(%dma_wait3A_73 : memref<10240x128xf32, #tpu.memory_space<hbm>>) dst(%arg11 : memref<32x128xf32, #tpu.memory_space<vmem>>)
      "tpu.region"() ({
        %run_scoped3A = tpu.sem_alloc : memref<!tpu.dma_semaphore, #tpu.memory_space<semaphore_mem>>
        %dma_start3A_89 = arith.constant 64 : i32
        %dma_start3A_90 = tpu.memref_slice %arg8[%add3A_32, %dma_start3A_89] : memref<80x128xi32, #tpu.memory_space<vmem>> -> memref<1x32xi32, #tpu.memory_space<vmem>>
        %dma_start3A_91 = tpu.memref_squeeze %dma_start3A_90 : memref<1x32xi32, #tpu.memory_space<vmem>> -> memref<32xi32, #tpu.memory_space<vmem>>
        %dma_start3A_92 = arith.constant 0 : i32
        %dma_start3A_93 = arith.constant 0 : i32
        %dma_start3A_94 = tpu.memref_slice %arg13[%dma_start3A_92, %dma_start3A_93] : memref<10240x128xf32, #tpu.memory_space<vmem_shared>> -> memref<10240x128xf32, #tpu.memory_space<vmem_shared>>
        tpu.enqueue_indirect_dma source(%arg11 : memref<32x128xf32, #tpu.memory_space<vmem>>) target(%dma_start3A_94 : memref<10240x128xf32, #tpu.memory_space<vmem_shared>>) offsets(%dma_start3A_91 : memref<32xi32, #tpu.memory_space<vmem>>) semaphore(%run_scoped3A : memref<!tpu.dma_semaphore, #tpu.memory_space<semaphore_mem>>) {add = true}
        %dma_wait3A_95 = arith.constant 64 : i32
        %dma_wait3A_96 = tpu.memref_slice %arg8[%add3A_32, %dma_wait3A_95] : memref<80x128xi32, #tpu.memory_space<vmem>> -> memref<1x32xi32, #tpu.memory_space<vmem>>
        %dma_wait3A_97 = tpu.memref_squeeze %dma_wait3A_96 : memref<1x32xi32, #tpu.memory_space<vmem>> -> memref<32xi32, #tpu.memory_space<vmem>>
        %dma_wait3A_98 = arith.constant 0 : i32
        %dma_wait3A_99 = arith.constant 0 : i32
        %dma_wait3A_100 = tpu.memref_slice %arg13[%dma_wait3A_98, %dma_wait3A_99] : memref<10240x128xf32, #tpu.memory_space<vmem_shared>> -> memref<10240x128xf32, #tpu.memory_space<vmem_shared>>
        tpu.wait_indirect_dma semaphore(%run_scoped3A : memref<!tpu.dma_semaphore, #tpu.memory_space<semaphore_mem>>) src(%arg11 : memref<32x128xf32, #tpu.memory_space<vmem>>) dst(%dma_wait3A_100 : memref<10240x128xf32, #tpu.memory_space<vmem_shared>>)
        tpu.yield
      }) : () -> ()
      %mul3A_74 = arith.constant 4 : i32
      %mul3A_75 = arith.muli %mul3A_74, %add3A_32 : i32
      %add3A_76 = arith.constant 6 : i32
      %add3A_77 = arith.addi %mul3A_75, %add3A_76 : i32
      %lt3A_78 = arith.constant 320 : i32
      %lt3A_79 = arith.cmpi slt, %add3A_77, %lt3A_78 : i32
      %convert_element_type3A_80 = arith.extui %lt3A_79 : i1 to i32
      %cond3A_81 = arith.constant 0 : i32
      %cond3A_82 = arith.cmpi ne, %convert_element_type3A_80, %cond3A_81 : i32
      scf.if %cond3A_82 {
        %add3A_89 = arith.constant 1 : i32
        %add3A_90 = arith.addi %add3A_32, %add3A_89 : i32
        %dma_start3A_91 = arith.constant 64 : i32
        %dma_start3A_92 = tpu.memref_slice %arg7[%add3A_90, %dma_start3A_91] : memref<80x128xi32, #tpu.memory_space<vmem>> -> memref<1x32xi32, #tpu.memory_space<vmem>>
        %dma_start3A_93 = tpu.memref_squeeze %dma_start3A_92 : memref<1x32xi32, #tpu.memory_space<vmem>> -> memref<32xi32, #tpu.memory_space<vmem>>
        %dma_start3A_94 = arith.constant 0 : i32
        %dma_start3A_95 = arith.constant 0 : i32
        %dma_start3A_96 = tpu.memref_slice %arg2[%dma_start3A_94, %dma_start3A_95] : memref<10240x128xf32, #tpu.memory_space<hbm>> -> memref<10240x128xf32, #tpu.memory_space<hbm>>
        tpu.enqueue_indirect_dma source(%dma_start3A_96 : memref<10240x128xf32, #tpu.memory_space<hbm>>) target(%arg11 : memref<32x128xf32, #tpu.memory_space<vmem>>) offsets(%dma_start3A_93 : memref<32xi32, #tpu.memory_space<vmem>>) semaphore(%arg16 : memref<!tpu.dma_semaphore, #tpu.memory_space<semaphore_mem>>)
      } else {
      }
      %dma_wait3A_83 = arith.constant 96 : i32
      %dma_wait3A_84 = tpu.memref_slice %arg7[%add3A_32, %dma_wait3A_83] : memref<80x128xi32, #tpu.memory_space<vmem>> -> memref<1x32xi32, #tpu.memory_space<vmem>>
      %dma_wait3A_85 = tpu.memref_squeeze %dma_wait3A_84 : memref<1x32xi32, #tpu.memory_space<vmem>> -> memref<32xi32, #tpu.memory_space<vmem>>
      %dma_wait3A_86 = arith.constant 0 : i32
      %dma_wait3A_87 = arith.constant 0 : i32
      %dma_wait3A_88 = tpu.memref_slice %arg2[%dma_wait3A_86, %dma_wait3A_87] : memref<10240x128xf32, #tpu.memory_space<hbm>> -> memref<10240x128xf32, #tpu.memory_space<hbm>>
      tpu.wait_indirect_dma semaphore(%arg17 : memref<!tpu.dma_semaphore, #tpu.memory_space<semaphore_mem>>) src(%dma_wait3A_88 : memref<10240x128xf32, #tpu.memory_space<hbm>>) dst(%arg12 : memref<32x128xf32, #tpu.memory_space<vmem>>)
      "tpu.region"() ({
        %run_scoped3A = tpu.sem_alloc : memref<!tpu.dma_semaphore, #tpu.memory_space<semaphore_mem>>
        %dma_start3A_89 = arith.constant 96 : i32
        %dma_start3A_90 = tpu.memref_slice %arg8[%add3A_32, %dma_start3A_89] : memref<80x128xi32, #tpu.memory_space<vmem>> -> memref<1x32xi32, #tpu.memory_space<vmem>>
        %dma_start3A_91 = tpu.memref_squeeze %dma_start3A_90 : memref<1x32xi32, #tpu.memory_space<vmem>> -> memref<32xi32, #tpu.memory_space<vmem>>
        %dma_start3A_92 = arith.constant 0 : i32
        %dma_start3A_93 = arith.constant 0 : i32
        %dma_start3A_94 = tpu.memref_slice %arg13[%dma_start3A_92, %dma_start3A_93] : memref<10240x128xf32, #tpu.memory_space<vmem_shared>> -> memref<10240x128xf32, #tpu.memory_space<vmem_shared>>
        tpu.enqueue_indirect_dma source(%arg12 : memref<32x128xf32, #tpu.memory_space<vmem>>) target(%dma_start3A_94 : memref<10240x128xf32, #tpu.memory_space<vmem_shared>>) offsets(%dma_start3A_91 : memref<32xi32, #tpu.memory_space<vmem>>) semaphore(%run_scoped3A : memref<!tpu.dma_semaphore, #tpu.memory_space<semaphore_mem>>) {add = true}
        %dma_wait3A_95 = arith.constant 96 : i32
        %dma_wait3A_96 = tpu.memref_slice %arg8[%add3A_32, %dma_wait3A_95] : memref<80x128xi32, #tpu.memory_space<vmem>> -> memref<1x32xi32, #tpu.memory_space<vmem>>
        %dma_wait3A_97 = tpu.memref_squeeze %dma_wait3A_96 : memref<1x32xi32, #tpu.memory_space<vmem>> -> memref<32xi32, #tpu.memory_space<vmem>>
        %dma_wait3A_98 = arith.constant 0 : i32
        %dma_wait3A_99 = arith.constant 0 : i32
        %dma_wait3A_100 = tpu.memref_slice %arg13[%dma_wait3A_98, %dma_wait3A_99] : memref<10240x128xf32, #tpu.memory_space<vmem_shared>> -> memref<10240x128xf32, #tpu.memory_space<vmem_shared>>
        tpu.wait_indirect_dma semaphore(%run_scoped3A : memref<!tpu.dma_semaphore, #tpu.memory_space<semaphore_mem>>) src(%arg12 : memref<32x128xf32, #tpu.memory_space<vmem>>) dst(%dma_wait3A_100 : memref<10240x128xf32, #tpu.memory_space<vmem_shared>>)
        tpu.yield
      }) : () -> ()
    }
    %scan3A_26 = arith.constant 80 : i32
    %barrier3A_27 = arith.constant 0 : index
    tpu.barrier barrier_id(%barrier3A_27)
    "tpu.region"() ({
      %run_scoped3A = tpu.sem_alloc : memref<!tpu.dma_semaphore, #tpu.memory_space<semaphore_mem>>
      %dma_start3A_28 = arith.constant 0 : i32
      %dma_start3A_29 = tpu.memref_slice %arg6[%arg0, %mul3A_2, %dma_start3A_28] : memref<2x10240x128xf32, #tpu.memory_space<hbm>> -> memref<1x640x128xf32, #tpu.memory_space<hbm>>
      %dma_start3A_30 = tpu.memref_squeeze %dma_start3A_29 : memref<1x640x128xf32, #tpu.memory_space<hbm>> -> memref<640x128xf32, #tpu.memory_space<hbm>>
      %dma_start3A_31 = arith.constant 0 : i32
      %dma_start3A_32 = tpu.memref_slice %arg13[%mul3A_2, %dma_start3A_31] : memref<10240x128xf32, #tpu.memory_space<vmem_shared>> -> memref<640x128xf32, #tpu.memory_space<vmem_shared>>
      tpu.enqueue_dma source(%dma_start3A_32 : memref<640x128xf32, #tpu.memory_space<vmem_shared>>) target(%dma_start3A_30 : memref<640x128xf32, #tpu.memory_space<hbm>>) target_semaphore(%run_scoped3A : memref<!tpu.dma_semaphore, #tpu.memory_space<semaphore_mem>>)
      %dma_wait3A = arith.constant 0 : i32
      %dma_wait3A_33 = tpu.memref_slice %arg6[%arg0, %mul3A_2, %dma_wait3A] : memref<2x10240x128xf32, #tpu.memory_space<hbm>> -> memref<1x640x128xf32, #tpu.memory_space<hbm>>
      %dma_wait3A_34 = tpu.memref_squeeze %dma_wait3A_33 : memref<1x640x128xf32, #tpu.memory_space<hbm>> -> memref<640x128xf32, #tpu.memory_space<hbm>>
      %dma_wait3A_35 = arith.constant 0 : i32
      %dma_wait3A_36 = tpu.memref_slice %arg13[%mul3A_2, %dma_wait3A_35] : memref<10240x128xf32, #tpu.memory_space<vmem_shared>> -> memref<640x128xf32, #tpu.memory_space<vmem_shared>>
      tpu.wait_dma2 semaphore(%run_scoped3A : memref<!tpu.dma_semaphore, #tpu.memory_space<semaphore_mem>>) src(%dma_wait3A_36 : memref<640x128xf32, #tpu.memory_space<vmem_shared>>) dst(%dma_wait3A_34 : memref<640x128xf32, #tpu.memory_space<hbm>>)
      tpu.yield
    }) : () -> ()
    return
  }
}

module attributes {stable_mosaic.version = 14 : i64} {
  func.func @_mm1_body(%arg0: i32, %arg1: memref<400x128xf32, #tpu.memory_space<vmem>>, %arg2: memref<128x128xf32, #tpu.memory_space<vmem>>, %arg3: memref<400x32xf32, #tpu.memory_space<vmem>>, %arg4: memref<400x128xf32, #tpu.memory_space<vmem>>, %arg5: memref<400x1xf32, #tpu.memory_space<vmem>>) attributes {dimension_semantics = [#tpu.dimension_semantics<arbitrary>], iteration_bounds = array<i64: 25>, scalar_prefetch = 0 : i64, scratch_operands = 0 : i64, tpu.core_type = #tpu.core_type<tc>, window_params = [{transform_indices = @transform_0, window_bounds = array<i64: 400, 128>}, {pipeline_mode = #tpu.pipeline_mode<synchronous>, transform_indices = @transform_1, window_bounds = array<i64: 128, 128>}, {transform_indices = @transform_2, window_bounds = array<i64: 400, 32>}, {transform_indices = @transform_3, window_bounds = array<i64: 400, 128>}, {transform_indices = @transform_4, window_bounds = array<i64: 400, 1>}]} {
    %get3A = arith.constant 0 : index
    %get3A_0 = arith.constant 0 : index
    %get3A_1 = vector.load %arg3[%get3A, %get3A_0] : memref<400x32xf32, #tpu.memory_space<vmem>>, vector<400x32xf32>
    %reduce_sum3A = arith.constant dense<0.000000e+00> : vector<400xf32>
    %reduce_sum3A_2 = vector.multi_reduction <add>, %get3A_1, %reduce_sum3A [1] : vector<400x32xf32> to vector<400xf32>
    %broadcast_in_dim3A = vector.shape_cast %reduce_sum3A_2 : vector<400xf32> to vector<400x1xf32>
    %add3A = arith.constant 1.000000e+00 : f32
    %add3A_3 = vector.broadcast %add3A : f32 to vector<400x1xf32>
    %add3A_4 = arith.addf %broadcast_in_dim3A, %add3A_3 : vector<400x1xf32>
    %rsqrt3A = math.rsqrt %add3A_4 : vector<400x1xf32>
    %swap3A = arith.constant 0 : index
    %swap3A_5 = arith.constant 0 : index
    %swap3A_6 = vector.load %arg5[%swap3A, %swap3A_5] : memref<400x1xf32, #tpu.memory_space<vmem>>, vector<400x1xf32>
    tpu.vector_store %arg5[%swap3A, %swap3A_5], %rsqrt3A {strides = array<i32>} : memref<400x1xf32, #tpu.memory_space<vmem>>, vector<400x1xf32>,
    %get3A_7 = arith.constant 0 : index
    %get3A_8 = arith.constant 0 : index
    %get3A_9 = vector.load %arg1[%get3A_7, %get3A_8] : memref<400x128xf32, #tpu.memory_space<vmem>>, vector<400x128xf32>
    %get3A_10 = arith.constant 0 : index
    %get3A_11 = arith.constant 0 : index
    %get3A_12 = vector.load %arg2[%get3A_10, %get3A_11] : memref<128x128xf32, #tpu.memory_space<vmem>>, vector<128x128xf32>
    %dot_general3A = arith.constant dense<0.000000e+00> : vector<400x128xf32>
    %dot_general3A_13 = tpu.matmul %get3A_9, %get3A_12, %dot_general3A {dimension_numbers = #tpu.dot_dimension_numbers<[1], [0], [0], [1], [0, 0, 1, 1], [], []>, transpose_lhs_hint = false} : vector<400x128xf32>, vector<128x128xf32>, vector<400x128xf32> -> vector<400x128xf32>
    %mul3A = vector.broadcast %rsqrt3A : vector<400x1xf32> to vector<400x128xf32>
    %mul3A_14 = arith.mulf %dot_general3A_13, %mul3A : vector<400x128xf32>
    %swap3A_15 = arith.constant 0 : index
    %swap3A_16 = arith.constant 0 : index
    %swap3A_17 = vector.load %arg4[%swap3A_15, %swap3A_16] : memref<400x128xf32, #tpu.memory_space<vmem>>, vector<400x128xf32>
    tpu.vector_store %arg4[%swap3A_15, %swap3A_16], %mul3A_14 {strides = array<i32>} : memref<400x128xf32, #tpu.memory_space<vmem>>, vector<400x128xf32>,
    return
  }
  func.func @transform_0(%arg0: i32) -> (i32, i32) {
    %c0_i32 = arith.constant 0 : i32
    %c0_i32_0 = arith.constant 0 : i32
    return %arg0, %c0_i32 : i32, i32
  }
  func.func @transform_1(%arg0: i32) -> (i32, i32) {
    %c0_i32 = arith.constant 0 : i32
    %c0_i32_0 = arith.constant 0 : i32
    %c0_i32_1 = arith.constant 0 : i32
    return %c0_i32, %c0_i32_0 : i32, i32
  }
  func.func @transform_2(%arg0: i32) -> (i32, i32) {
    %c0_i32 = arith.constant 0 : i32
    %c0_i32_0 = arith.constant 0 : i32
    return %arg0, %c0_i32 : i32, i32
  }
  func.func @transform_3(%arg0: i32) -> (i32, i32) {
    %c0_i32 = arith.constant 0 : i32
    %c0_i32_0 = arith.constant 0 : i32
    return %arg0, %c0_i32 : i32, i32
  }
  func.func @transform_4(%arg0: i32) -> (i32, i32) {
    %c0_i32 = arith.constant 0 : i32
    %c0_i32_0 = arith.constant 0 : i32
    return %arg0, %c0_i32 : i32, i32
  }
}

module attributes {stable_mosaic.version = 14 : i64} {
  func.func @_layer2_body(%arg0: i32, %arg1: memref<400x128xf32, #tpu.memory_space<vmem>>, %arg2: memref<2x400x128xf32, #tpu.memory_space<vmem>>, %arg3: memref<400x1xf32, #tpu.memory_space<vmem>>, %arg4: memref<1x128xf32, #tpu.memory_space<vmem>>, %arg5: memref<400x128xf32, #tpu.memory_space<vmem>>) attributes {dimension_semantics = [#tpu.dimension_semantics<arbitrary>], iteration_bounds = array<i64: 25>, scalar_prefetch = 0 : i64, scratch_operands = 0 : i64, tpu.core_type = #tpu.core_type<tc>, window_params = [{transform_indices = @transform_0, window_bounds = array<i64: 400, 128>}, {transform_indices = @transform_1, window_bounds = array<i64: 2, 400, 128>}, {transform_indices = @transform_2, window_bounds = array<i64: 400, 1>}, {pipeline_mode = #tpu.pipeline_mode<synchronous>, transform_indices = @transform_3, window_bounds = array<i64: 1, 128>}, {transform_indices = @transform_4, window_bounds = array<i64: 400, 128>}]} {
    %get3A = arith.constant 0 : index
    %get3A_0 = arith.constant 0 : index
    %get3A_1 = vector.load %arg3[%get3A, %get3A_0] : memref<400x1xf32, #tpu.memory_space<vmem>>, vector<400x1xf32>
    %get3A_2 = arith.constant 0 : index
    %get3A_3 = arith.constant 0 : index
    %get3A_4 = vector.load %arg1[%get3A_2, %get3A_3] : memref<400x128xf32, #tpu.memory_space<vmem>>, vector<400x128xf32>
    %get3A_5 = arith.constant 0 : index
    %get3A_6 = arith.constant 0 : index
    %get3A_7 = arith.constant 0 : index
    %get3A_8 = vector.load %arg2[%get3A_5, %get3A_6, %get3A_7] : memref<2x400x128xf32, #tpu.memory_space<vmem>>, vector<1x400x128xf32>
    %get3A_9 = vector.shape_cast %get3A_8 : vector<1x400x128xf32> to vector<400x128xf32>
    %add3A = arith.addf %get3A_4, %get3A_9 : vector<400x128xf32>
    %get3A_10 = arith.constant 1 : index
    %get3A_11 = arith.constant 0 : index
    %get3A_12 = arith.constant 0 : index
    %get3A_13 = vector.load %arg2[%get3A_10, %get3A_11, %get3A_12] : memref<2x400x128xf32, #tpu.memory_space<vmem>>, vector<1x400x128xf32>
    %get3A_14 = vector.shape_cast %get3A_13 : vector<1x400x128xf32> to vector<400x128xf32>
    %add3A_15 = arith.addf %add3A, %get3A_14 : vector<400x128xf32>
    %mul3A = vector.broadcast %get3A_1 : vector<400x1xf32> to vector<400x128xf32>
    %mul3A_16 = arith.mulf %add3A_15, %mul3A : vector<400x128xf32>
    %get3A_17 = arith.constant 0 : index
    %get3A_18 = arith.constant 0 : index
    %get3A_19 = vector.load %arg4[%get3A_17, %get3A_18] : memref<1x128xf32, #tpu.memory_space<vmem>>, vector<1x128xf32>
    %add3A_20 = vector.broadcast %get3A_19 : vector<1x128xf32> to vector<400x128xf32>
    %add3A_21 = arith.addf %mul3A_16, %add3A_20 : vector<400x128xf32>
    %max3A = arith.constant 0.000000e+00 : f32
    %max3A_22 = vector.broadcast %max3A : f32 to vector<400x128xf32>
    %max3A_23 = arith.maximumf %add3A_21, %max3A_22 : vector<400x128xf32>
    %mul3A_24 = vector.broadcast %get3A_1 : vector<400x1xf32> to vector<400x128xf32>
    %mul3A_25 = arith.mulf %max3A_23, %mul3A_24 : vector<400x128xf32>
    %swap3A = arith.constant 0 : index
    %swap3A_26 = arith.constant 0 : index
    %swap3A_27 = vector.load %arg5[%swap3A, %swap3A_26] : memref<400x128xf32, #tpu.memory_space<vmem>>, vector<400x128xf32>
    tpu.vector_store %arg5[%swap3A, %swap3A_26], %mul3A_25 {strides = array<i32>} : memref<400x128xf32, #tpu.memory_space<vmem>>, vector<400x128xf32>,
    return
  }
  func.func @transform_0(%arg0: i32) -> (i32, i32) {
    %c0_i32 = arith.constant 0 : i32
    %c0_i32_0 = arith.constant 0 : i32
    return %arg0, %c0_i32 : i32, i32
  }
  func.func @transform_1(%arg0: i32) -> (i32, i32, i32) {
    %c0_i32 = arith.constant 0 : i32
    %c0_i32_0 = arith.constant 0 : i32
    %c0_i32_1 = arith.constant 0 : i32
    return %c0_i32, %arg0, %c0_i32_0 : i32, i32, i32
  }
  func.func @transform_2(%arg0: i32) -> (i32, i32) {
    %c0_i32 = arith.constant 0 : i32
    %c0_i32_0 = arith.constant 0 : i32
    return %arg0, %c0_i32 : i32, i32
  }
  func.func @transform_3(%arg0: i32) -> (i32, i32) {
    %c0_i32 = arith.constant 0 : i32
    %c0_i32_0 = arith.constant 0 : i32
    %c0_i32_1 = arith.constant 0 : i32
    return %c0_i32, %c0_i32_0 : i32, i32
  }
  func.func @transform_4(%arg0: i32) -> (i32, i32) {
    %c0_i32 = arith.constant 0 : i32
    %c0_i32_0 = arith.constant 0 : i32
    return %arg0, %c0_i32 : i32, i32
  }
}

module attributes {stable_mosaic.version = 14 : i64} {
  func.func @_final_body(%arg0: i32, %arg1: memref<400x128xf32, #tpu.memory_space<vmem>>, %arg2: memref<2x400x128xf32, #tpu.memory_space<vmem>>, %arg3: memref<400x1xf32, #tpu.memory_space<vmem>>, %arg4: memref<128x16xf32, #tpu.memory_space<vmem>>, %arg5: memref<1x16xf32, #tpu.memory_space<vmem>>, %arg6: memref<400x16xf32, #tpu.memory_space<vmem>>) attributes {dimension_semantics = [#tpu.dimension_semantics<arbitrary>], iteration_bounds = array<i64: 25>, scalar_prefetch = 0 : i64, scratch_operands = 0 : i64, tpu.core_type = #tpu.core_type<tc>, window_params = [{transform_indices = @transform_0, window_bounds = array<i64: 400, 128>}, {transform_indices = @transform_1, window_bounds = array<i64: 2, 400, 128>}, {transform_indices = @transform_2, window_bounds = array<i64: 400, 1>}, {pipeline_mode = #tpu.pipeline_mode<synchronous>, transform_indices = @transform_3, window_bounds = array<i64: 128, 16>}, {pipeline_mode = #tpu.pipeline_mode<synchronous>, transform_indices = @transform_4, window_bounds = array<i64: 1, 16>}, {transform_indices = @transform_5, window_bounds = array<i64: 400, 16>}]} {
    %get3A = arith.constant 0 : index
    %get3A_0 = arith.constant 0 : index
    %get3A_1 = vector.load %arg3[%get3A, %get3A_0] : memref<400x1xf32, #tpu.memory_space<vmem>>, vector<400x1xf32>
    %get3A_2 = arith.constant 0 : index
    %get3A_3 = arith.constant 0 : index
    %get3A_4 = vector.load %arg1[%get3A_2, %get3A_3] : memref<400x128xf32, #tpu.memory_space<vmem>>, vector<400x128xf32>
    %get3A_5 = arith.constant 0 : index
    %get3A_6 = arith.constant 0 : index
    %get3A_7 = arith.constant 0 : index
    %get3A_8 = vector.load %arg2[%get3A_5, %get3A_6, %get3A_7] : memref<2x400x128xf32, #tpu.memory_space<vmem>>, vector<1x400x128xf32>
    %get3A_9 = vector.shape_cast %get3A_8 : vector<1x400x128xf32> to vector<400x128xf32>
    %add3A = arith.addf %get3A_4, %get3A_9 : vector<400x128xf32>
    %get3A_10 = arith.constant 1 : index
    %get3A_11 = arith.constant 0 : index
    %get3A_12 = arith.constant 0 : index
    %get3A_13 = vector.load %arg2[%get3A_10, %get3A_11, %get3A_12] : memref<2x400x128xf32, #tpu.memory_space<vmem>>, vector<1x400x128xf32>
    %get3A_14 = vector.shape_cast %get3A_13 : vector<1x400x128xf32> to vector<400x128xf32>
    %add3A_15 = arith.addf %add3A, %get3A_14 : vector<400x128xf32>
    %mul3A = vector.broadcast %get3A_1 : vector<400x1xf32> to vector<400x128xf32>
    %mul3A_16 = arith.mulf %add3A_15, %mul3A : vector<400x128xf32>
    %get3A_17 = arith.constant 0 : index
    %get3A_18 = arith.constant 0 : index
    %get3A_19 = vector.load %arg4[%get3A_17, %get3A_18] : memref<128x16xf32, #tpu.memory_space<vmem>>, vector<128x16xf32>
    %dot_general3A = arith.constant dense<0.000000e+00> : vector<400x16xf32>
    %dot_general3A_20 = tpu.matmul %mul3A_16, %get3A_19, %dot_general3A {dimension_numbers = #tpu.dot_dimension_numbers<[1], [0], [0], [1], [0, 0, 1, 1], [], []>, transpose_lhs_hint = false} : vector<400x128xf32>, vector<128x16xf32>, vector<400x16xf32> -> vector<400x16xf32>
    %get3A_21 = arith.constant 0 : index
    %get3A_22 = arith.constant 0 : index
    %get3A_23 = vector.load %arg5[%get3A_21, %get3A_22] : memref<1x16xf32, #tpu.memory_space<vmem>>, vector<1x16xf32>
    %add3A_24 = vector.broadcast %get3A_23 : vector<1x16xf32> to vector<400x16xf32>
    %add3A_25 = arith.addf %dot_general3A_20, %add3A_24 : vector<400x16xf32>
    %reduce_max3A = arith.constant dense<0xFF800000> : vector<400xf32>
    %reduce_max3A_26 = vector.multi_reduction <maximumf>, %add3A_25, %reduce_max3A [1] : vector<400x16xf32> to vector<400xf32>
    %broadcast_in_dim3A = vector.shape_cast %reduce_max3A_26 : vector<400xf32> to vector<400x1xf32>
    %sub3A = vector.broadcast %broadcast_in_dim3A : vector<400x1xf32> to vector<400x16xf32>
    %sub3A_27 = arith.subf %add3A_25, %sub3A : vector<400x16xf32>
    %sub3A_28 = vector.broadcast %broadcast_in_dim3A : vector<400x1xf32> to vector<400x16xf32>
    %sub3A_29 = arith.subf %add3A_25, %sub3A_28 : vector<400x16xf32>
    %exp3A = math.exp %sub3A_29 : vector<400x16xf32>
    %reduce_sum3A = arith.constant dense<0.000000e+00> : vector<400xf32>
    %reduce_sum3A_30 = vector.multi_reduction <add>, %exp3A, %reduce_sum3A [1] : vector<400x16xf32> to vector<400xf32>
    %broadcast_in_dim3A_31 = vector.shape_cast %reduce_sum3A_30 : vector<400xf32> to vector<400x1xf32>
    %log3A = math.log %broadcast_in_dim3A_31 : vector<400x1xf32>
    %sub3A_32 = vector.broadcast %log3A : vector<400x1xf32> to vector<400x16xf32>
    %sub3A_33 = arith.subf %sub3A_27, %sub3A_32 : vector<400x16xf32>
    %swap3A = arith.constant 0 : index
    %swap3A_34 = arith.constant 0 : index
    %swap3A_35 = vector.load %arg6[%swap3A, %swap3A_34] : memref<400x16xf32, #tpu.memory_space<vmem>>, vector<400x16xf32>
    tpu.vector_store %arg6[%swap3A, %swap3A_34], %sub3A_33 {strides = array<i32>} : memref<400x16xf32, #tpu.memory_space<vmem>>, vector<400x16xf32>,
    return
  }
  func.func @transform_0(%arg0: i32) -> (i32, i32) {
    %c0_i32 = arith.constant 0 : i32
    %c0_i32_0 = arith.constant 0 : i32
    return %arg0, %c0_i32 : i32, i32
  }
  func.func @transform_1(%arg0: i32) -> (i32, i32, i32) {
    %c0_i32 = arith.constant 0 : i32
    %c0_i32_0 = arith.constant 0 : i32
    %c0_i32_1 = arith.constant 0 : i32
    return %c0_i32, %arg0, %c0_i32_0 : i32, i32, i32
  }
  func.func @transform_2(%arg0: i32) -> (i32, i32) {
    %c0_i32 = arith.constant 0 : i32
    %c0_i32_0 = arith.constant 0 : i32
    return %arg0, %c0_i32 : i32, i32
  }
  func.func @transform_3(%arg0: i32) -> (i32, i32) {
    %c0_i32 = arith.constant 0 : i32
    %c0_i32_0 = arith.constant 0 : i32
    %c0_i32_1 = arith.constant 0 : i32
    return %c0_i32, %c0_i32_0 : i32, i32
  }
  func.func @transform_4(%arg0: i32) -> (i32, i32) {
    %c0_i32 = arith.constant 0 : i32
    %c0_i32_0 = arith.constant 0 : i32
    %c0_i32_1 = arith.constant 0 : i32
    return %c0_i32, %c0_i32_0 : i32, i32
  }
  func.func @transform_5(%arg0: i32) -> (i32, i32) {
    %c0_i32 = arith.constant 0 : i32
    %c0_i32_0 = arith.constant 0 : i32
    return %arg0, %c0_i32 : i32, i32
  }
}

</mosaic_0001>

<sc_bundles>
// kernel: kernel.11.cloned.1.call-start
scs
__scs_entry_jumppad:
0x0: {  	(pc) =	sbr.rel $0x88, $3  }
0x1: {  	(tag) =	ssettag $0x0;
	lr =	simm.s32 $0x1  }
0x2: {  	[smem:$0x3F9B] =	sst lr;
	_ =	strace $0xD0000000  }
0x3: {  	_ = 	snop  }
0x4: {  	_ = 	snop  }
0x5: {  	_ = 	snop  }
0x6: {  	_ = 	snop  }
0x7: {  	_ = 	snop  }
__scs_overlays_trampoline_lowered:
0x8: {  	[smem:$0x3FAA] =	sst s0  }
0x9: {  	[smem:$0x3FAB] =	sst s1  }
0xa: {  	[smem:$0x3FAC] =	sst s2  }
0xb: {  	[smem:$0x3FAD] =	sst s3  }
0xc: {  	[smem:$0x3FAE] =	sst s4  }
0xd: {  	[smem:$0x3FAF] =	sst s5  }
0xe: {  	[smem:$0x3FB0] =	sst s6  }
0xf: {  	[smem:$0x3FB1] =	sst s7  }
0x10: {  	[smem:$0x3FB2] =	sst s8  }
0x11: {  	[smem:$0x3FB3] =	sst s9;
	s0 =	simm.s32 @!p0 $0x0  }
0x12: {  	s1 =	sld [smem:$0x3F99];
	s0 =	simm.s32 @p0 $0x1  }
0x13: {  	[smem:$0x3FB4] =	sst s0;
	s0 =	simm.s32 @!p1 $0x0  }
0x14: {  	s2 =	sld [smem:$0x3F98];
	s0 =	simm.s32 @p1 $0x1  }
0x15: {  	[smem:$0x3FB5] =	sst s0;
	s0 =	simm.s32 @!p2 $0x0  }
0x16: {  	s3 =	sld [smem:$0x3FDB];
	s0 =	simm.s32 @p2 $0x1  }
0x17: {  	s4 =	simm.s32 $0x1BF5;
	[smem:$0x3FB7] =	sst s0  }
0x18: {  	s0 =	sld [smem:$0x3F9A];
	_ =	swait.ge [sflag:s4], $0x0  }
0x19: {  	s7 =	sld [smem:$0x3F9B]  }
0x1a: {  	s8 =	sadd.s32 $0xFFFFE003, lr  }
0x1b: {  	s9 =	sadd.s32 $0xFFFFFEF7, lr;
	s5 =	simm.s32 $0xFFFFFFFF;
	p2 =	slt.u32 s8, $0xFFFFF086  }
0x1c: {  	p1 =	slt.u32 s9, $0xF7A;
	s5 =	simm.s32 @!p2 $0x0  }
0x1d: {  	s5 =	simm.s32 @p1 $0x1;
	p0 =	seq.s32 s7, s2  }
0x1e: {  	s7 =	smul.u32 @!p0 $0xF7A, s2;
	p2 =	seq.s32 @!p0 s5, $0x0  }
0x1f: {  	s9 =	smul.u32 $0xF7A, s1;
	s8 =	simm.s32 @!p0 $0x1BF5;
	p2 =	por !p2, p0  }
0x20: {  	[sflag:s8] =	ssyncset.s32 @!p0 $0xFFFFF086;
	s6 =	sadd.s32 @!p0 s3, s7;
	s7 =	simm.s32 @!p0 $0x108  }
0x21: {  	s3 =	sadd.s32 s3, s9;
	s6 =	sadd.s32 @!p0 $0x88, s6;
	s7 =	simm.s32 @p2 $0x1082  }
0x22: {  	[simem:s7], [sflag:s8] =	dma.local @!p0 [hbm:s6], $0xF7A  }
0x23: {  	s9 =	sor.u32 $0xD0000000, s2;
	s6 =	simm.s32 $0x108;
	_ =	swait.ge @!p0 [sflag:s8], $0x0  }
0x24: {  	s3 =	sadd.s32 $0x88, s3;
	s6 =	simm.s32 @!p1 $0x1082;
	[sflag:s4] =	ssyncset.s32 $0xFFFFF086  }
0x25: {  	[simem:s6], [sflag:s4] =	dma.local [hbm:s3], $0xF7A  }
0x26: {  	[smem:$0x3F9B] =	sst s1;
	(tag) =	ssettag s2;
	_ =	strace s9  }
0x27: {  	s1 =	sld [smem:$0x3FAB]  }
0x28: {  	s2 =	sld [smem:$0x3FAC]  }
0x29: {  	s4 =	sld [smem:$0x3FAE]  }
0x2a: {  	p0 =	seq.s32 s5, $0x0;
	s5 =	sld [smem:$0x3FAF]  }
0x2b: {  	s6 =	sld [smem:$0x3FB0]  }
0x2c: {  	s7 =	sld [smem:$0x3FB1]  }
0x2d: {  	s3 =	simm.s32 $0x108;
	s8 =	sld [smem:$0x3FB2]  }
0x2e: {  	s3 =	simm.s32 @!p0 $0x1082;
	s9 =	sld [smem:$0x3FB3]  }
0x2f: {  	lr =	sadd.s32 s0, s3;
	s0 =	sld [smem:$0x3FAA]  }
0x30: {  	s3 =	sld [smem:$0x3FAD]  }
0x31: {  	[smem:$0x3FB6] =	sst s10  }
0x32: {  	s10 =	sld [smem:$0x3FB4];
	_ =	sdelay $0x3  }
0x33: {  	p0 =	seq.s32 s10, $0x1;
	s10 =	sld [smem:$0x3FB6];
	_ =	sdelay $0x3  }
0x34: {  	[smem:$0x3FB6] =	sst s10  }
0x35: {  	s10 =	sld [smem:$0x3FB5];
	_ =	sdelay $0x3  }
0x36: {  	p1 =	seq.s32 s10, $0x1;
	s10 =	sld [smem:$0x3FB6];
	_ =	sdelay $0x3  }
0x37: {  	[smem:$0x3FB6] =	sst s10  }
0x38: {  	s10 =	sld [smem:$0x3FB7]  }
0x39: {  	_ = 	snop;
	(pc) =	sbr.ind lr, $3  }
0x3a: {  	_ = 	snop  }
0x3b: {  	_ = 	snop  }
0x3c: {  	p2 =	seq.s32 s10, $0x1;
	s10 =	sld [smem:$0x3FB6]  }
0x3d: {  	_ =	shalt  }
0x3e: {  	_ =	shalt  }
0x3f: {  	_ =	shalt  }
0x40: {  	_ =	shalt  }
0x41: {  	_ =	shalt  }
0x42: {  	_ =	shalt  }
0x43: {  	_ =	shalt  }
0x44: {  	_ =	shalt  }
0x45: {  	_ =	shalt  }
0x46: {  	_ =	shalt  }
0x47: {  	_ =	shalt  }
0x48: {  	_ =	shalt  }
0x49: {  	_ =	shalt  }
0x4a: {  	_ =	shalt  }
0x4b: {  	_ =	shalt  }
0x4c: {  	_ =	shalt  }
0x4d: {  	_ =	shalt  }
0x4e: {  	_ =	shalt  }
0x4f: {  	_ =	shalt  }
0x50: {  	_ =	shalt  }
0x51: {  	_ =	shalt  }
0x52: {  	_ =	shalt  }
0x53: {  	_ =	shalt  }
0x54: {  	_ =	shalt  }
0x55: {  	_ =	shalt  }
0x56: {  	_ =	shalt  }
0x57: {  	_ =	shalt  }
0x58: {  	_ =	shalt  }
0x59: {  	_ =	shalt  }
0x5a: {  	_ =	shalt  }
0x5b: {  	_ =	shalt  }
0x5c: {  	_ =	shalt  }
0x5d: {  	_ =	shalt  }
0x5e: {  	_ =	shalt  }
0x5f: {  	_ =	shalt  }
0x60: {  	_ =	shalt  }
0x61: {  	_ =	shalt  }
0x62: {  	_ =	shalt  }
0x63: {  	_ =	shalt  }
0x64: {  	_ =	shalt  }
0x65: {  	_ =	shalt  }
0x66: {  	_ =	shalt  }
0x67: {  	_ =	shalt  }
0x68: {  	_ =	shalt  }
0x69: {  	_ =	shalt  }
0x6a: {  	_ =	shalt  }
0x6b: {  	_ =	shalt  }
0x6c: {  	_ =	shalt  }
0x6d: {  	_ =	shalt  }
0x6e: {  	_ =	shalt  }
0x6f: {  	_ =	shalt  }
0x70: {  	_ =	shalt  }
0x71: {  	_ =	shalt  }
0x72: {  	_ =	shalt  }
0x73: {  	_ =	shalt  }
0x74: {  	_ =	shalt  }
0x75: {  	_ =	shalt  }
0x76: {  	_ =	shalt  }
0x77: {  	_ =	shalt  }
0x78: {  	_ =	shalt  }
0x79: {  	_ =	shalt  }
0x7a: {  	_ =	shalt  }
0x7b: {  	_ =	shalt  }
0x7c: {  	_ =	shalt  }
0x7d: {  	_ =	shalt  }
0x7e: {  	_ =	shalt  }
0x7f: {  	_ =	shalt  }
0x80: {  	_ =	shalt  }
0x81: {  	_ =	shalt  }
0x82: {  	_ =	shalt  }
0x83: {  	_ =	shalt  }
0x84: {  	_ =	shalt  }
0x85: {  	_ =	shalt  }
0x86: {  	_ =	shalt  }
0x87: {  	_ =	shalt  }
.Lfunc_end0:
.L_simem_size_0:
called_computation.1_lowered:
.L_overlay_start_0:
0x88: {  	s2 =	sld [smem:$0x3FD9]  }
0x89: {  	s3 =	sld [smem:$0x3FFE];
	_ =	sdelay $0x1  }
0x8a: {  	s1 =	srdreg.scid  }
0x8b: {  	s0 =	sand.u32 $0x1, s1  }
0x8c: {  	s16 =	sshll.u32 s0, $0xA;
	s2 =	sadd.s32 s3, s2  }
0x8d: {  	s2 =	sadd.s32 s2, s16  }
0x8e: {  	[smem:$0x3FC2] =	sst s2  }
0x8f: {  	_ = 	snop  }
0x90: {  	(tm) =	ssettm $0x1  }
0x91: {  	s17 =	sld [smem:$0x3FFB];
	_ =	sdelay $0x3  }
0x92: {  	_ =	strace s17  }
0x93: {  	s2 =	sld [smem:$0x3FFC];
	_ =	sdelay $0x3  }
0x94: {  	_ =	strace s2  }
0x95: {  	s2 =	sld [smem:$0x3FFD];
	_ =	sdelay $0x3  }
0x96: {  	_ =	strace s2  }
0x97: {  	_ =	strace $0x8FFFFFFF  }
0x98: {  	s18 =	sld [smem:$0x3FDB];
	_ =	sdelay $0x1  }
0x99: {  	s19 =	simm.s32 $_scs_section_size  }
0x9a: {  	s4 =	simm.s32 $_size__tile_overlayer_lowered;
	s5 =	simm.s32 $_tile_overlayer_lowered  }
0x9b: {  	s22 =	simm.s32 $0x1BFF;
	s21 =	sshll.u32 s5, $0x1;
	s2 =	sadd.s32 s19, s18  }
0x9c: {  	s6 =	simm.s32 $0x0;
	s20 =	sshll.u32 s4, $0x1;
	s4 =	sadd.s32 s21, s2  }
0x9d: {  	[timem:s6], [sflag:s22] =	dma.local [hbm:s4], s20  }
0x9e: {  	_ =	swait.ge [sflag:s22], s20  }
0x9f: {  	s3 =	ssub.s32 $0x0, s20;
	[sflag:s22] =	ssyncset.done $0x0  }
0xa0: {  	[sflag:s22] =	ssyncadd.s32 s3;
	_ =	sdelay $0x1  }
0xa1: {  	s23 =	simm.s32 $0x1B8B  }
0xa2: {  	_ =	swait.ge [sflag:s23], $0x1  }
0xa3: {  	[sflag:s23] =	ssyncset.done $0x0  }
0xa4: {  	s25 =	simm.s32 $0x1B8E;
	s24 =	sld [smem:$0x3FFE];
	[sflag:s23] =	ssyncadd.s32 $0xFFFFFFFF  }
0xa5: {  	s26 =	simm.s32 $execute0_lowered;
	[smem:$0x3FD2] =	sst s25  }
0xa6: {  	s4 =	sshll.u32 s26, $0x1;
	_ =	strace $0x80000049;
	[dreg:$0x1] =	wrdreg $0xFFFFFFFF  }
0xa7: {  	s28 =	simm.s32 $_size_execute0_lowered;
	s2 =	sadd.s32 s2, s4;
	[dreg:$0x0] =	wrdreg $0x0  }
0xa8: {  	s4 =	sshll.u32 s28, $0x1;
	[dreg:$0x2] =	wrdreg s2  }
0xa9: {  	[dreg:$0x3] =	wrdreg s4  }
0xaa: {  	[dreg:$0x4] =	wrdreg $0xC0  }
0xab: {  	_ =	task [dreg:s6], $0x5FFFF  }
0xac: {  	[dreg:$0x1] =	wrdreg $0xFFFFFFFF  }
0xad: {  	[dreg:$0x0] =	wrdreg $0x60  }
0xae: {  	[dreg:$0x2] =	wrdreg s24  }
0xaf: {  	[dreg:$0x3] =	wrdreg $0x90000  }
0xb0: {  	[dreg:$0x4] =	wrdreg $0x9  }
0xb1: {  	_ =	task.clear_ibuf [dreg:s6], $0x5FFFF;
	_ =	strace $0x90000049  }
0xb2: {  	s29 =	simm.s32 $0x9;
	_ =	strace $0x8000004B  }
0xb3: {  	_ =	swait.ge [sflag:s29], $0x1  }
0xb4: {  	[sflag:s29] =	ssyncadd.s32 $0xFFFFFFFF  }
0xb5: {  	_ =	strace $0x9000004B  }
0xb6: {  	_ =	sfence  }
0xb7: {  	s30 =	sld [smem:$0x0];
	_ =	sdelay $0x2  }
0xb8: {  	s31 =	sshll.u32 s1, $0xD;
	s1 =	sshrl.u32 s1, $0x2  }
0xb9: {  	s3 =	sand.u32 $0x4000, s31;
	s1 =	sadd.s32 s1, s30  }
0xba: {  	s0 =	sor.u32 s3, s0;
	s1 =	sshll.u32 s1, $0x11  }
0xbb: {  	s0 =	sor.u32 s1, s0  }
0xbc: {  	s0 =	sadd.s32 $0x8F2B, s0  }
0xbd: {  	[sflag:s0] =	ssyncadd.remote.s32 $0x1  }
0xbe: {  	_ =	sfence.sel $0xFFFF  }
0xbf: {  	[dreg:$0x0] =	wrdreg $0xFFFFFFFF;
	(pc) =	sbr.abs _section_cstart, $3  }
0xc0: {  	[dreg:$0x1] =	wrdreg $0xFFFFFFFF  }
0xc1: {  	_ =	task.clear_ibuf [dreg:s6], $0x2FFFF;
	_ =	strace $0x9FFFFFFF  }
0xc2: {  	(tm) =	ssettm $0x7FFFFFFF  }
0xc3: {  	_ =	shalt  }
tec
execute0_lowered:
.L_overlay_start_1:
0x0: {  	(tag) =	ssettag $0x1  }
0x1: {  	s0 =	srdreg.scid;
	s1 =	rddreg [dreg:$0x0]  }
0x2: {  	s10 =	stileid.u32;
	s2 =	rddreg [dreg:$0x1];
	s12 =	simm.s32 $0x5  }
0x3: {  	s14 =	simm.s32 $0x20;
	s15 =	simm.s32 $0x5000;
	s16 =	simm.s32 $0x6000  }
0x4: {  	s18 =	simm.s32 $0x7000;
	s19 =	simm.s32 $0x8000;
	s20 =	simm.s32 $0x1  }
0x5: {  	s21 =	simm.s32 $0x2;
	s22 =	simm.s32 $0x3;
	s23 =	simm.s32 $0x4  }
0x6: {  	s28 =	simm.s32 $0x4FC0;
	s29 =	simm.s32 $0x4FE0;
	s30 =	simm.s32 $0x0  }
0x7: {  	s0 =	sand.u32 $0x1, s0;
	s3 =	sshll.u32 s10, $0x1;
	s6 =	smul.u32 $0x14000, s10  }
0x8: {  	s25 =	smul.u32 $0x50000, s10;
	s31 =	sshll.u32 s10, $0x6;
	s4 =	sor.u32 s0, s3  }
0x9: {  	s3 =	simm.s32 $0x0;
	s7 =	smul.u32 $0x140000, s0;
	s0 =	ssub.s32 $0x2, s0  }
0xa: {  	s5 =	smul.u32 $0x500, s4;
	[smem:$0x7FF] =	sst s3;
	s4 =	sadd.s32 $0x16000, s1  }
0xb: {  	s24 =	sshrl.u32 s6, $0x3;
	s9 =	sshrl.u32 s0, $0x1;
	s26 =	sshrl.u32 s25, $0x2  }
0xc: {  	s25 =	simm.s32 $0x4F80;
	_ =	strace $0x8000004A;
	s6 =	sadd.s32 s6, s7  }
0xd: {  	s0 =	ssub.s32 s0, s9;
	s11 =	sadd.s32 s26, s2;
	s26 =	simm.s32 $0x4FA0  }
0xe: {  	s8 =	sadd.s32 s5, s1;
	s5 =	sadd.s32 s24, s1;
	s6 =	sshrl.u32 s6, $0x3  }
0xf: {  	s10 =	smax.u32 s0, $0x1;
	s11 =	sshrl.u32 s11, $0x3;
	s24 =	simm.s32 $0x27E0  }
0x10: {  	s1 =	sadd.s32 s6, s1;
	s5 =	sadd.s32 $0x3E000, s5;
	s6 =	sor.u32 $0x1C05, s31  }
0x11: {  	s7 =	sadd.s32 $0x2000, s8;
	s8 =	sadd.s32 $0xC000, s8;
	s9 =	sadd.s32 $0x66000, s1  }
.LBB2_1:
0x12: {  	[spmem:s11], [sflag:s6] =	dma.local [hbm:s5], $0x2800  }
0x13: {  	_ =	swait.ge [sflag:s12], $0x2800  }
0x14: {  	[sflag:s12] =	ssyncset.done $0x0  }
0x15: {  	[sflag:s12] =	ssyncadd.s32 $0xFFFFD800  }
0x16: {  	[tilespmem:s3], [sflag:$0x5] =	stream.linear.gather [hbm4b:s7+s3], $0x2800, $0x38;
	[tilespmem:$0x1D000] =	vst v63  }
0x17: {  	_ =	swait.ge [sflag:s12], $0x2800  }
0x18: {  	[sflag:s12] =	ssyncset.done $0x0  }
0x19: {  	s0 =	simm.s32 $0x2800;
	[sflag:s12] =	ssyncadd.s32 $0xFFFFD800  }
0x1a: {  	[tilespmem:s0], [sflag:$0x5] =	stream.linear.gather [hbm4b:s8+s3], $0x2800, $0x38;
	[tilespmem:$0x1D000] =	vst v63  }
0x1b: {  	_ =	swait.ge [sflag:s12], $0x2800  }
0x1c: {  	[sflag:s12] =	ssyncset.done $0x0  }
0x1d: {  	[sflag:s12] =	ssyncadd.s32 $0xFFFFD800  }
0x1e: {  	[bflag:$0x0] =	sbarrier.arrive $0xFFFF  }
0x1f: {  	[tilespmem:s15], [sflag:$0x1] =	stream.indirect.gather [hbm4b:s4+s14], $0x80, s3, s14, $0xb8;
	[tilespmem:$0x1D000] =	vst v63  }
0x20: {  	_ = 	snop  }
0x21: {  	[tilespmem:s16], [sflag:$0x2] =	stream.indirect.gather [hbm4b:s4+s14], $0x80, s14, s14, $0xb8;
	[tilespmem:$0x1D000] =	vst v63  }
0x22: {  	s1 =	simm.s32 $0x40  }
0x23: {  	[tilespmem:s18], [sflag:$0x3] =	stream.indirect.gather [hbm4b:s4+s14], $0x80, s1, s14, $0xb8;
	[tilespmem:$0x1D000] =	vst v63  }
0x24: {  	s13 =	simm.s32 $0x60  }
0x25: {  	[tilespmem:s19], [sflag:$0x4] =	stream.indirect.gather [hbm4b:s4+s14], $0x80, s13, s14, $0xb8;
	[tilespmem:$0x1D000] =	vst v63  }
0x26: {  	_ =	swait.ge [sflag:s20], $0x1000  }
0x27: {  	[sflag:s20] =	ssyncset.done $0x0  }
0x28: {  	s17 =	simm.s32 $0x2800;
	[sflag:s20] =	ssyncadd.s32 $0xFFFFF000  }
0x29: {  	[spmem:s2] =	stream.indirect.scatter.add.f32 [tilespmem:s15], [sflag:$0x5], $0x80, s17, s14, $0xb8;
	[tilespmem:$0x1D000] =	vst v63  }
0x2a: {  	_ =	swait.ge [sflag:s12], $0x1000  }
0x2b: {  	[sflag:s12] =	ssyncset.done $0x0  }
0x2c: {  	s1 =	simm.s32 $0x80;
	[sflag:s12] =	ssyncadd.s32 $0xFFFFF000  }
0x2d: {  	[tilespmem:s15], [sflag:$0x1] =	stream.indirect.gather [hbm4b:s4+s14], $0x80, s1, s14, $0xb8;
	[tilespmem:$0x1D000] =	vst v63  }
0x2e: {  	_ =	swait.ge [sflag:s21], $0x1000  }
0x2f: {  	[sflag:s21] =	ssyncset.done $0x0  }
0x30: {  	s13 =	simm.s32 $0x2820;
	[sflag:s21] =	ssyncadd.s32 $0xFFFFF000  }
0x31: {  	[spmem:s2] =	stream.indirect.scatter.add.f32 [tilespmem:s16], [sflag:$0x5], $0x80, s13, s14, $0xb8;
	[tilespmem:$0x1D000] =	vst v63  }
0x32: {  	_ =	swait.ge [sflag:s12], $0x1000  }
0x33: {  	[sflag:s12] =	ssyncset.done $0x0  }
0x34: {  	s17 =	simm.s32 $0xA0;
	[sflag:s12] =	ssyncadd.s32 $0xFFFFF000  }
0x35: {  	[tilespmem:s16], [sflag:$0x2] =	stream.indirect.gather [hbm4b:s4+s14], $0x80, s17, s14, $0xb8;
	[tilespmem:$0x1D000] =	vst v63  }
0x36: {  	_ =	swait.ge [sflag:s22], $0x1000  }
0x37: {  	[sflag:s22] =	ssyncset.done $0x0  }
0x38: {  	s1 =	simm.s32 $0x2840;
	[sflag:s22] =	ssyncadd.s32 $0xFFFFF000  }
0x39: {  	[spmem:s2] =	stream.indirect.scatter.add.f32 [tilespmem:s18], [sflag:$0x5], $0x80, s1, s14, $0xb8;
	[tilespmem:$0x1D000] =	vst v63  }
0x3a: {  	_ =	swait.ge [sflag:s12], $0x1000  }
0x3b: {  	[sflag:s12] =	ssyncset.done $0x0  }
0x3c: {  	s13 =	simm.s32 $0xC0;
	[sflag:s12] =	ssyncadd.s32 $0xFFFFF000  }
0x3d: {  	[tilespmem:s18], [sflag:$0x3] =	stream.indirect.gather [hbm4b:s4+s14], $0x80, s13, s14, $0xb8;
	[tilespmem:$0x1D000] =	vst v63  }
0x3e: {  	_ =	swait.ge [sflag:s23], $0x1000  }
0x3f: {  	[sflag:s23] =	ssyncset.done $0x0  }
0x40: {  	s17 =	simm.s32 $0x2860;
	[sflag:s23] =	ssyncadd.s32 $0xFFFFF000  }
0x41: {  	[spmem:s2] =	stream.indirect.scatter.add.f32 [tilespmem:s19], [sflag:$0x5], $0x80, s17, s14, $0xb8;
	[tilespmem:$0x1D000] =	vst v63  }
0x42: {  	_ =	swait.ge [sflag:s12], $0x1000  }
0x43: {  	s31 =	simm.s32 $0x80;
	s1 =	simm.s32 $0x400;
	[sflag:s12] =	ssyncset.done $0x0  }
.LBB2_2:
0x44: {  	s17 =	sadd.s32 $0x60, s31  }
0x45: {  	[sflag:s12] =	ssyncadd.s32 $0xFFFFF000;
	s0 =	smov.u32 s1;
	s13 =	sadd.s32 $0x200, s1  }
0x46: {  	[tilespmem:s19], [sflag:$0x4] =	stream.indirect.gather [hbm4b:s4+s14], $0x80, s17, s14, $0xb8;
	[tilespmem:$0x1D000] =	vst v63  }
0x47: {  	p0 =	sne.s32 s1, $0x9C00;
	_ =	swait.ge [sflag:s20], $0x1000  }
0x48: {  	[sflag:s20] =	ssyncset.done $0x0  }
0x49: {  	s1 =	sadd.s32 $0x2800, s31;
	[sflag:s20] =	ssyncadd.s32 $0xFFFFF000  }
0x4a: {  	[spmem:s2] =	stream.indirect.scatter.add.f32 [tilespmem:s15], [sflag:$0x5], $0x80, s1, s14, $0xb8;
	[tilespmem:$0x1D000] =	vst v63  }
0x4b: {  	_ =	swait.ge [sflag:s12], $0x1000  }
0x4c: {  	[sflag:s12] =	ssyncset.done $0x0  }
0x4d: {  	s1 =	sadd.s32 $0x80, s31;
	[sflag:s12] =	ssyncadd.s32 $0xFFFFF000  }
0x4e: {  	[tilespmem:s15], [sflag:$0x1] =	stream.indirect.gather [hbm4b:s4+s14], $0x80, s1, s14, $0xb8;
	[tilespmem:$0x1D000] =	vst v63  }
0x4f: {  	_ =	swait.ge [sflag:s21], $0x1000  }
0x50: {  	[sflag:s21] =	ssyncset.done $0x0  }
0x51: {  	s1 =	sadd.s32 $0x2820, s31;
	[sflag:s21] =	ssyncadd.s32 $0xFFFFF000  }
0x52: {  	[spmem:s2] =	stream.indirect.scatter.add.f32 [tilespmem:s16], [sflag:$0x5], $0x80, s1, s14, $0xb8;
	[tilespmem:$0x1D000] =	vst v63  }
0x53: {  	_ =	swait.ge [sflag:s12], $0x1000  }
0x54: {  	[sflag:s12] =	ssyncset.done $0x0  }
0x55: {  	s1 =	sadd.s32 $0xA0, s31;
	[sflag:s12] =	ssyncadd.s32 $0xFFFFF000  }
0x56: {  	[tilespmem:s16], [sflag:$0x2] =	stream.indirect.gather [hbm4b:s4+s14], $0x80, s1, s14, $0xb8;
	[tilespmem:$0x1D000] =	vst v63  }
0x57: {  	_ =	swait.ge [sflag:s22], $0x1000  }
0x58: {  	[sflag:s22] =	ssyncset.done $0x0  }
0x59: {  	s1 =	sadd.s32 $0x2840, s31;
	[sflag:s22] =	ssyncadd.s32 $0xFFFFF000  }
0x5a: {  	[spmem:s2] =	stream.indirect.scatter.add.f32 [tilespmem:s18], [sflag:$0x5], $0x80, s1, s14, $0xb8;
	[tilespmem:$0x1D000] =	vst v63  }
0x5b: {  	_ =	swait.ge [sflag:s12], $0x1000  }
0x5c: {  	[sflag:s12] =	ssyncset.done $0x0  }
0x5d: {  	s1 =	sadd.s32 $0xC0, s31;
	[sflag:s12] =	ssyncadd.s32 $0xFFFFF000  }
0x5e: {  	[tilespmem:s18], [sflag:$0x3] =	stream.indirect.gather [hbm4b:s4+s14], $0x80, s1, s14, $0xb8;
	[tilespmem:$0x1D000] =	vst v63  }
0x5f: {  	_ =	swait.ge [sflag:s23], $0x1000  }
.Ltmp0:
0x60: {  	[sflag:s23] =	ssyncset.done $0x0;
	(pc) =	sbr.rel @p0 .LBB2_2-.Ltmp0, $4  }
0x61: {  	s1 =	sadd.s32 $0x2860, s31;
	[sflag:s23] =	ssyncadd.s32 $0xFFFFF000  }
0x62: {  	[spmem:s2] =	stream.indirect.scatter.add.f32 [tilespmem:s19], [sflag:$0x5], $0x80, s1, s14, $0xb8;
	[tilespmem:$0x1D000] =	vst v63  }
0x63: {  	_ =	swait.ge [sflag:s12], $0x1000  }
0x64: {  	s31 =	sshra.s32 s0, $0x2;
	s1 =	smov.u32 s13;
	[sflag:s12] =	ssyncset.done $0x0  }
0x65: {  	s0 =	sadd.s32 $0x60, s31;
	[sflag:s12] =	ssyncadd.s32 $0xFFFFF000  }
0x66: {  	[tilespmem:s19], [sflag:$0x4] =	stream.indirect.gather [hbm4b:s4+s14], $0x80, s0, s14, $0xb8;
	[tilespmem:$0x1D000] =	vst v63  }
0x67: {  	_ =	swait.ge [sflag:s20], $0x1000  }
0x68: {  	[sflag:s20] =	ssyncset.done $0x0  }
0x69: {  	s1 =	sadd.s32 $0x2800, s31;
	[sflag:s20] =	ssyncadd.s32 $0xFFFFF000  }
0x6a: {  	[spmem:s2] =	stream.indirect.scatter.add.f32 [tilespmem:s15], [sflag:$0x5], $0x80, s1, s14, $0xb8;
	[tilespmem:$0x1D000] =	vst v63  }
0x6b: {  	_ =	swait.ge [sflag:s12], $0x1000  }
0x6c: {  	[sflag:s12] =	ssyncset.done $0x0  }
0x6d: {  	s13 =	sadd.s32 $0x80, s31;
	[sflag:s12] =	ssyncadd.s32 $0xFFFFF000  }
0x6e: {  	[tilespmem:s15], [sflag:$0x1] =	stream.indirect.gather [hbm4b:s4+s14], $0x80, s13, s14, $0xb8;
	[tilespmem:$0x1D000] =	vst v63  }
0x6f: {  	_ =	swait.ge [sflag:s21], $0x1000  }
0x70: {  	[sflag:s21] =	ssyncset.done $0x0  }
0x71: {  	s17 =	sadd.s32 $0x2820, s31;
	[sflag:s21] =	ssyncadd.s32 $0xFFFFF000  }
0x72: {  	[spmem:s2] =	stream.indirect.scatter.add.f32 [tilespmem:s16], [sflag:$0x5], $0x80, s17, s14, $0xb8;
	[tilespmem:$0x1D000] =	vst v63  }
0x73: {  	_ =	swait.ge [sflag:s12], $0x1000  }
0x74: {  	[sflag:s12] =	ssyncset.done $0x0  }
0x75: {  	s1 =	sadd.s32 $0xA0, s31;
	[sflag:s12] =	ssyncadd.s32 $0xFFFFF000  }
0x76: {  	[tilespmem:s16], [sflag:$0x2] =	stream.indirect.gather [hbm4b:s4+s14], $0x80, s1, s14, $0xb8;
	[tilespmem:$0x1D000] =	vst v63  }
0x77: {  	_ =	swait.ge [sflag:s22], $0x1000  }
0x78: {  	[sflag:s22] =	ssyncset.done $0x0  }
0x79: {  	s13 =	sadd.s32 $0x2840, s31;
	[sflag:s22] =	ssyncadd.s32 $0xFFFFF000  }
0x7a: {  	[spmem:s2] =	stream.indirect.scatter.add.f32 [tilespmem:s18], [sflag:$0x5], $0x80, s13, s14, $0xb8;
	[tilespmem:$0x1D000] =	vst v63  }
0x7b: {  	_ =	swait.ge [sflag:s12], $0x1000  }
0x7c: {  	[sflag:s12] =	ssyncset.done $0x0  }
0x7d: {  	s17 =	sadd.s32 $0xC0, s31;
	[sflag:s12] =	ssyncadd.s32 $0xFFFFF000  }
0x7e: {  	[tilespmem:s18], [sflag:$0x3] =	stream.indirect.gather [hbm4b:s4+s14], $0x80, s17, s14, $0xb8;
	[tilespmem:$0x1D000] =	vst v63  }
0x7f: {  	_ =	swait.ge [sflag:s23], $0x1000  }
0x80: {  	[sflag:s23] =	ssyncset.done $0x0  }
0x81: {  	s31 =	sadd.s32 $0x2860, s31;
	[sflag:s23] =	ssyncadd.s32 $0xFFFFF000  }
0x82: {  	[spmem:s2] =	stream.indirect.scatter.add.f32 [tilespmem:s19], [sflag:$0x5], $0x80, s31, s14, $0xb8;
	[tilespmem:$0x1D000] =	vst v63  }
0x83: {  	_ =	swait.ge [sflag:s12], $0x1000  }
0x84: {  	[sflag:s12] =	ssyncset.done $0x0  }
0x85: {  	[sflag:s12] =	ssyncadd.s32 $0xFFFFF000  }
0x86: {  	[tilespmem:s19], [sflag:$0x4] =	stream.indirect.gather [hbm4b:s4+s14], $0x80, s24, s14, $0xb8;
	[tilespmem:$0x1D000] =	vst v63  }
0x87: {  	_ =	swait.ge [sflag:s20], $0x1000  }
0x88: {  	[sflag:s20] =	ssyncset.done $0x0  }
0x89: {  	[sflag:s20] =	ssyncadd.s32 $0xFFFFF000  }
0x8a: {  	[spmem:s2] =	stream.indirect.scatter.add.f32 [tilespmem:s15], [sflag:$0x5], $0x80, s25, s14, $0xb8;
	[tilespmem:$0x1D000] =	vst v63  }
0x8b: {  	_ =	swait.ge [sflag:s12], $0x1000  }
0x8c: {  	[sflag:s12] =	ssyncset.done $0x0  }
0x8d: {  	[sflag:s12] =	ssyncadd.s32 $0xFFFFF000  }
0x8e: {  	_ =	swait.ge [sflag:s21], $0x1000  }
0x8f: {  	[sflag:s21] =	ssyncset.done $0x0  }
0x90: {  	[sflag:s21] =	ssyncadd.s32 $0xFFFFF000  }
0x91: {  	[spmem:s2] =	stream.indirect.scatter.add.f32 [tilespmem:s16], [sflag:$0x5], $0x80, s26, s14, $0xb8;
	[tilespmem:$0x1D000] =	vst v63  }
0x92: {  	_ =	swait.ge [sflag:s12], $0x1000  }
0x93: {  	[sflag:s12] =	ssyncset.done $0x0  }
0x94: {  	[sflag:s12] =	ssyncadd.s32 $0xFFFFF000  }
0x95: {  	_ =	swait.ge [sflag:s22], $0x1000  }
0x96: {  	[sflag:s22] =	ssyncset.done $0x0  }
0x97: {  	[sflag:s22] =	ssyncadd.s32 $0xFFFFF000  }
0x98: {  	[spmem:s2] =	stream.indirect.scatter.add.f32 [tilespmem:s18], [sflag:$0x5], $0x80, s28, s14, $0xb8;
	[tilespmem:$0x1D000] =	vst v63  }
0x99: {  	_ =	swait.ge [sflag:s12], $0x1000  }
0x9a: {  	[sflag:s12] =	ssyncset.done $0x0  }
0x9b: {  	[sflag:s12] =	ssyncadd.s32 $0xFFFFF000  }
0x9c: {  	_ =	swait.ge [sflag:s23], $0x1000  }
0x9d: {  	[sflag:s23] =	ssyncset.done $0x0  }
0x9e: {  	[sflag:s23] =	ssyncadd.s32 $0xFFFFF000  }
0x9f: {  	[spmem:s2] =	stream.indirect.scatter.add.f32 [tilespmem:s19], [sflag:$0x5], $0x80, s29, s14, $0xb8;
	[tilespmem:$0x1D000] =	vst v63  }
0xa0: {  	_ =	swait.ge [sflag:s12], $0x1000  }
0xa1: {  	s30 =	sadd.s32 $0x1, s30;
	[sflag:s12] =	ssyncset.done $0x0  }
0xa2: {  	p0 =	sne.s32 s30, s10;
	[sflag:s12] =	ssyncadd.s32 $0xFFFFF000  }
.Ltmp1:
0xa3: {  	[bflag:$0x0] =	sbarrier.arrive $0xFFFF;
	(pc) =	sbr.rel @p0 .LBB2_1-.Ltmp1, $4  }
0xa4: {  	[hbm:s9], [sflag:s6] =	dma.local [spmem:s11], $0x2800  }
0xa5: {  	_ =	swait.ge [sflag:s12], $0x2800  }
0xa6: {  	[sflag:s12] =	ssyncset.done $0x0  }
0xa7: {  	[sflag:s12] =	ssyncadd.s32 $0xFFFFD800  }
0xa8: {  	_ =	sfence.sel $0x180000  }
0xa9: {  	[bflag:$0x0] =	sbarrier.arrive $0xFFFF  }
0xaa: {  	_ =	strace $0x9000004A  }
0xab: {  	s0 =	stileid.u32;
	[bflag:$0x2] =	sbarrier.arrive $0xFFFF  }
0xac: {  	p0 =	sne.s32 s0, $0x0;
	s0 =	rddreg [dreg:$0x2]  }
0xad: {  	s0 =	sadd.s32 @!p0 $0x100000, s0  }
0xae: {  	[sflag:s0] =	ssyncadd.tile.s32 @!p0 $0x1;
	_ =	shalt  }
.Lfunc_end2:
_tile_overlayer_lowered:
.L_overlay_start_2:
0xaf: {  	(tag) =	ssettag $0x2  }
0xb0: {  	s0 =	rddreg [dreg:$0x0];
	s2 =	stileid.u32  }
0xb1: {  	s1 =	rddreg [dreg:$0x1];
	p0 =	sne.s32 s2, $0x0  }
0xb2: {  	s3 =	rddreg [dreg:$0x2];
	[bflag:$0x3] =	sbarrier.arrive $0xFFFF;
	s2 =	simm.s32 @!p0 $0x1C05  }
0xb3: {  	[timem:s3], [sflag:s2] =	dma.local @!p0 [hbm:s0], s1  }
0xb4: {  	s0 =	simm.s32 @!p0 $0x5  }
0xb5: {  	_ =	swait.ge @!p0 [sflag:s0], s1  }
0xb6: {  	s1 =	ssub.s32 @!p0 $0x0, s1;
	[sflag:s0] =	ssyncset.done @!p0 $0x0  }
0xb7: {  	[sflag:s0] =	ssyncadd.s32 @!p0 s1  }
0xb8: {  	[bflag:$0x3] =	sbarrier.arrive $0xFFFF  }
0xb9: {  	_ =	shalt  }

// kernel: kernel.14.cloned.1.call-start
scs
__scs_entry_jumppad:
0x0: {  	(pc) =	sbr.rel $0x88, $3  }
0x1: {  	(tag) =	ssettag $0x0;
	lr =	simm.s32 $0x1  }
0x2: {  	[smem:$0x3F9B] =	sst lr;
	_ =	strace $0xD0000000  }
0x3: {  	_ = 	snop  }
0x4: {  	_ = 	snop  }
0x5: {  	_ = 	snop  }
0x6: {  	_ = 	snop  }
0x7: {  	_ = 	snop  }
__scs_overlays_trampoline_lowered:
0x8: {  	[smem:$0x3FAA] =	sst s0  }
0x9: {  	[smem:$0x3FAB] =	sst s1  }
0xa: {  	[smem:$0x3FAC] =	sst s2  }
0xb: {  	[smem:$0x3FAD] =	sst s3  }
0xc: {  	[smem:$0x3FAE] =	sst s4  }
0xd: {  	[smem:$0x3FAF] =	sst s5  }
0xe: {  	[smem:$0x3FB0] =	sst s6  }
0xf: {  	[smem:$0x3FB1] =	sst s7  }
0x10: {  	[smem:$0x3FB2] =	sst s8  }
0x11: {  	[smem:$0x3FB3] =	sst s9;
	s0 =	simm.s32 @!p0 $0x0  }
0x12: {  	s1 =	sld [smem:$0x3F99];
	s0 =	simm.s32 @p0 $0x1  }
0x13: {  	[smem:$0x3FB4] =	sst s0;
	s0 =	simm.s32 @!p1 $0x0  }
0x14: {  	s2 =	sld [smem:$0x3F98];
	s0 =	simm.s32 @p1 $0x1  }
0x15: {  	[smem:$0x3FB5] =	sst s0;
	s0 =	simm.s32 @!p2 $0x0  }
0x16: {  	s3 =	sld [smem:$0x3FDB];
	s0 =	simm.s32 @p2 $0x1  }
0x17: {  	s4 =	simm.s32 $0x1BF5;
	[smem:$0x3FB7] =	sst s0  }
0x18: {  	s0 =	sld [smem:$0x3F9A];
	_ =	swait.ge [sflag:s4], $0x0  }
0x19: {  	s7 =	sld [smem:$0x3F9B]  }
0x1a: {  	s8 =	sadd.s32 $0xFFFFE003, lr  }
0x1b: {  	s9 =	sadd.s32 $0xFFFFFEF7, lr;
	s5 =	simm.s32 $0xFFFFFFFF;
	p2 =	slt.u32 s8, $0xFFFFF086  }
0x1c: {  	p1 =	slt.u32 s9, $0xF7A;
	s5 =	simm.s32 @!p2 $0x0  }
0x1d: {  	s5 =	simm.s32 @p1 $0x1;
	p0 =	seq.s32 s7, s2  }
0x1e: {  	s7 =	smul.u32 @!p0 $0xF7A, s2;
	p2 =	seq.s32 @!p0 s5, $0x0  }
0x1f: {  	s9 =	smul.u32 $0xF7A, s1;
	s8 =	simm.s32 @!p0 $0x1BF5;
	p2 =	por !p2, p0  }
0x20: {  	[sflag:s8] =	ssyncset.s32 @!p0 $0xFFFFF086;
	s6 =	sadd.s32 @!p0 s3, s7;
	s7 =	simm.s32 @!p0 $0x108  }
0x21: {  	s3 =	sadd.s32 s3, s9;
	s6 =	sadd.s32 @!p0 $0x88, s6;
	s7 =	simm.s32 @p2 $0x1082  }
0x22: {  	[simem:s7], [sflag:s8] =	dma.local @!p0 [hbm:s6], $0xF7A  }
0x23: {  	s9 =	sor.u32 $0xD0000000, s2;
	s6 =	simm.s32 $0x108;
	_ =	swait.ge @!p0 [sflag:s8], $0x0  }
0x24: {  	s3 =	sadd.s32 $0x88, s3;
	s6 =	simm.s32 @!p1 $0x1082;
	[sflag:s4] =	ssyncset.s32 $0xFFFFF086  }
0x25: {  	[simem:s6], [sflag:s4] =	dma.local [hbm:s3], $0xF7A  }
0x26: {  	[smem:$0x3F9B] =	sst s1;
	(tag) =	ssettag s2;
	_ =	strace s9  }
0x27: {  	s1 =	sld [smem:$0x3FAB]  }
0x28: {  	s2 =	sld [smem:$0x3FAC]  }
0x29: {  	s4 =	sld [smem:$0x3FAE]  }
0x2a: {  	p0 =	seq.s32 s5, $0x0;
	s5 =	sld [smem:$0x3FAF]  }
0x2b: {  	s6 =	sld [smem:$0x3FB0]  }
0x2c: {  	s7 =	sld [smem:$0x3FB1]  }
0x2d: {  	s3 =	simm.s32 $0x108;
	s8 =	sld [smem:$0x3FB2]  }
0x2e: {  	s3 =	simm.s32 @!p0 $0x1082;
	s9 =	sld [smem:$0x3FB3]  }
0x2f: {  	lr =	sadd.s32 s0, s3;
	s0 =	sld [smem:$0x3FAA]  }
0x30: {  	s3 =	sld [smem:$0x3FAD]  }
0x31: {  	[smem:$0x3FB6] =	sst s10  }
0x32: {  	s10 =	sld [smem:$0x3FB4];
	_ =	sdelay $0x3  }
0x33: {  	p0 =	seq.s32 s10, $0x1;
	s10 =	sld [smem:$0x3FB6];
	_ =	sdelay $0x3  }
0x34: {  	[smem:$0x3FB6] =	sst s10  }
0x35: {  	s10 =	sld [smem:$0x3FB5];
	_ =	sdelay $0x3  }
0x36: {  	p1 =	seq.s32 s10, $0x1;
	s10 =	sld [smem:$0x3FB6];
	_ =	sdelay $0x3  }
0x37: {  	[smem:$0x3FB6] =	sst s10  }
0x38: {  	s10 =	sld [smem:$0x3FB7]  }
0x39: {  	_ = 	snop;
	(pc) =	sbr.ind lr, $3  }
0x3a: {  	_ = 	snop  }
0x3b: {  	_ = 	snop  }
0x3c: {  	p2 =	seq.s32 s10, $0x1;
	s10 =	sld [smem:$0x3FB6]  }
0x3d: {  	_ =	shalt  }
0x3e: {  	_ =	shalt  }
0x3f: {  	_ =	shalt  }
0x40: {  	_ =	shalt  }
0x41: {  	_ =	shalt  }
0x42: {  	_ =	shalt  }
0x43: {  	_ =	shalt  }
0x44: {  	_ =	shalt  }
0x45: {  	_ =	shalt  }
0x46: {  	_ =	shalt  }
0x47: {  	_ =	shalt  }
0x48: {  	_ =	shalt  }
0x49: {  	_ =	shalt  }
0x4a: {  	_ =	shalt  }
0x4b: {  	_ =	shalt  }
0x4c: {  	_ =	shalt  }
0x4d: {  	_ =	shalt  }
0x4e: {  	_ =	shalt  }
0x4f: {  	_ =	shalt  }
0x50: {  	_ =	shalt  }
0x51: {  	_ =	shalt  }
0x52: {  	_ =	shalt  }
0x53: {  	_ =	shalt  }
0x54: {  	_ =	shalt  }
0x55: {  	_ =	shalt  }
0x56: {  	_ =	shalt  }
0x57: {  	_ =	shalt  }
0x58: {  	_ =	shalt  }
0x59: {  	_ =	shalt  }
0x5a: {  	_ =	shalt  }
0x5b: {  	_ =	shalt  }
0x5c: {  	_ =	shalt  }
0x5d: {  	_ =	shalt  }
0x5e: {  	_ =	shalt  }
0x5f: {  	_ =	shalt  }
0x60: {  	_ =	shalt  }
0x61: {  	_ =	shalt  }
0x62: {  	_ =	shalt  }
0x63: {  	_ =	shalt  }
0x64: {  	_ =	shalt  }
0x65: {  	_ =	shalt  }
0x66: {  	_ =	shalt  }
0x67: {  	_ =	shalt  }
0x68: {  	_ =	shalt  }
0x69: {  	_ =	shalt  }
0x6a: {  	_ =	shalt  }
0x6b: {  	_ =	shalt  }
0x6c: {  	_ =	shalt  }
0x6d: {  	_ =	shalt  }
0x6e: {  	_ =	shalt  }
0x6f: {  	_ =	shalt  }
0x70: {  	_ =	shalt  }
0x71: {  	_ =	shalt  }
0x72: {  	_ =	shalt  }
0x73: {  	_ =	shalt  }
0x74: {  	_ =	shalt  }
0x75: {  	_ =	shalt  }
0x76: {  	_ =	shalt  }
0x77: {  	_ =	shalt  }
0x78: {  	_ =	shalt  }
0x79: {  	_ =	shalt  }
0x7a: {  	_ =	shalt  }
0x7b: {  	_ =	shalt  }
0x7c: {  	_ =	shalt  }
0x7d: {  	_ =	shalt  }
0x7e: {  	_ =	shalt  }
0x7f: {  	_ =	shalt  }
0x80: {  	_ =	shalt  }
0x81: {  	_ =	shalt  }
0x82: {  	_ =	shalt  }
0x83: {  	_ =	shalt  }
0x84: {  	_ =	shalt  }
0x85: {  	_ =	shalt  }
0x86: {  	_ =	shalt  }
0x87: {  	_ =	shalt  }
.Lfunc_end0:
.L_simem_size_0:
called_computation.2_lowered:
.L_overlay_start_0:
0x88: {  	s2 =	sld [smem:$0x3FD9]  }
0x89: {  	s3 =	sld [smem:$0x3FFE];
	_ =	sdelay $0x1  }
0x8a: {  	s1 =	srdreg.scid  }
0x8b: {  	s0 =	sand.u32 $0x1, s1  }
0x8c: {  	s16 =	sshll.u32 s0, $0xA;
	s2 =	sadd.s32 s3, s2  }
0x8d: {  	s2 =	sadd.s32 s2, s16  }
0x8e: {  	[smem:$0x3FC2] =	sst s2  }
0x8f: {  	_ = 	snop  }
0x90: {  	(tm) =	ssettm $0x1  }
0x91: {  	s17 =	sld [smem:$0x3FFB];
	_ =	sdelay $0x3  }
0x92: {  	_ =	strace s17  }
0x93: {  	s2 =	sld [smem:$0x3FFC];
	_ =	sdelay $0x3  }
0x94: {  	_ =	strace s2  }
0x95: {  	s2 =	sld [smem:$0x3FFD];
	_ =	sdelay $0x3  }
0x96: {  	_ =	strace s2  }
0x97: {  	_ =	strace $0x8FFFFFFF  }
0x98: {  	s18 =	sld [smem:$0x3FDB];
	_ =	sdelay $0x1  }
0x99: {  	s19 =	simm.s32 $_scs_section_size  }
0x9a: {  	s4 =	simm.s32 $_size__tile_overlayer_lowered;
	s5 =	simm.s32 $_tile_overlayer_lowered  }
0x9b: {  	s22 =	simm.s32 $0x1BFF;
	s21 =	sshll.u32 s5, $0x1;
	s2 =	sadd.s32 s19, s18  }
0x9c: {  	s6 =	simm.s32 $0x0;
	s20 =	sshll.u32 s4, $0x1;
	s4 =	sadd.s32 s21, s2  }
0x9d: {  	[timem:s6], [sflag:s22] =	dma.local [hbm:s4], s20  }
0x9e: {  	_ =	swait.ge [sflag:s22], s20  }
0x9f: {  	s3 =	ssub.s32 $0x0, s20;
	[sflag:s22] =	ssyncset.done $0x0  }
0xa0: {  	[sflag:s22] =	ssyncadd.s32 s3;
	_ =	sdelay $0x1  }
0xa1: {  	s23 =	simm.s32 $0x1B8B  }
0xa2: {  	_ =	swait.ge [sflag:s23], $0x1  }
0xa3: {  	[sflag:s23] =	ssyncset.done $0x0  }
0xa4: {  	s25 =	simm.s32 $0x1B8E;
	s24 =	sld [smem:$0x3FFE];
	[sflag:s23] =	ssyncadd.s32 $0xFFFFFFFF  }
0xa5: {  	s26 =	simm.s32 $execute0_lowered;
	[smem:$0x3FD2] =	sst s25  }
0xa6: {  	s4 =	sshll.u32 s26, $0x1;
	_ =	strace $0x8000004C;
	[dreg:$0x1] =	wrdreg $0xFFFFFFFF  }
0xa7: {  	s28 =	simm.s32 $_size_execute0_lowered;
	s2 =	sadd.s32 s2, s4;
	[dreg:$0x0] =	wrdreg $0x0  }
0xa8: {  	s4 =	sshll.u32 s28, $0x1;
	[dreg:$0x2] =	wrdreg s2  }
0xa9: {  	[dreg:$0x3] =	wrdreg s4  }
0xaa: {  	[dreg:$0x4] =	wrdreg $0xC0  }
0xab: {  	_ =	task [dreg:s6], $0x5FFFF  }
0xac: {  	[dreg:$0x1] =	wrdreg $0xFFFFFFFF  }
0xad: {  	[dreg:$0x0] =	wrdreg $0x60  }
0xae: {  	[dreg:$0x2] =	wrdreg s24  }
0xaf: {  	[dreg:$0x3] =	wrdreg $0x90000  }
0xb0: {  	[dreg:$0x4] =	wrdreg $0x9  }
0xb1: {  	_ =	task.clear_ibuf [dreg:s6], $0x5FFFF;
	_ =	strace $0x9000004C  }
0xb2: {  	s29 =	simm.s32 $0x9;
	_ =	strace $0x8000004E  }
0xb3: {  	_ =	swait.ge [sflag:s29], $0x1  }
0xb4: {  	[sflag:s29] =	ssyncadd.s32 $0xFFFFFFFF  }
0xb5: {  	_ =	strace $0x9000004E  }
0xb6: {  	_ =	sfence  }
0xb7: {  	s30 =	sld [smem:$0x0];
	_ =	sdelay $0x2  }
0xb8: {  	s31 =	sshll.u32 s1, $0xD;
	s1 =	sshrl.u32 s1, $0x2  }
0xb9: {  	s3 =	sand.u32 $0x4000, s31;
	s1 =	sadd.s32 s1, s30  }
0xba: {  	s0 =	sor.u32 s3, s0;
	s1 =	sshll.u32 s1, $0x11  }
0xbb: {  	s0 =	sor.u32 s1, s0  }
0xbc: {  	s0 =	sadd.s32 $0x8F2B, s0  }
0xbd: {  	[sflag:s0] =	ssyncadd.remote.s32 $0x1  }
0xbe: {  	_ =	sfence.sel $0xFFFF  }
0xbf: {  	[dreg:$0x0] =	wrdreg $0xFFFFFFFF;
	(pc) =	sbr.abs _section_cstart, $3  }
0xc0: {  	[dreg:$0x1] =	wrdreg $0xFFFFFFFF  }
0xc1: {  	_ =	task.clear_ibuf [dreg:s6], $0x2FFFF;
	_ =	strace $0x9FFFFFFF  }
0xc2: {  	(tm) =	ssettm $0x7FFFFFFF  }
0xc3: {  	_ =	shalt  }
tec
execute0_lowered:
.L_overlay_start_1:
0x0: {  	(tag) =	ssettag $0x1  }
0x1: {  	s0 =	srdreg.scid;
	s1 =	rddreg [dreg:$0x0]  }
0x2: {  	s10 =	stileid.u32;
	s2 =	rddreg [dreg:$0x1];
	s12 =	simm.s32 $0x5  }
0x3: {  	s14 =	simm.s32 $0x20;
	s15 =	simm.s32 $0x5000;
	s16 =	simm.s32 $0x6000  }
0x4: {  	s18 =	simm.s32 $0x7000;
	s19 =	simm.s32 $0x8000;
	s20 =	simm.s32 $0x1  }
0x5: {  	s21 =	simm.s32 $0x2;
	s22 =	simm.s32 $0x3;
	s23 =	simm.s32 $0x4  }
0x6: {  	s28 =	simm.s32 $0x4FC0;
	s29 =	simm.s32 $0x4FE0;
	s30 =	simm.s32 $0x0  }
0x7: {  	s0 =	sand.u32 $0x1, s0;
	s3 =	sshll.u32 s10, $0x1;
	s6 =	smul.u32 $0x14000, s10  }
0x8: {  	s25 =	smul.u32 $0x50000, s10;
	s31 =	sshll.u32 s10, $0x6;
	s4 =	sor.u32 s0, s3  }
0x9: {  	s3 =	simm.s32 $0x0;
	s7 =	smul.u32 $0x140000, s0;
	s0 =	ssub.s32 $0x2, s0  }
0xa: {  	s5 =	smul.u32 $0x500, s4;
	[smem:$0x7FF] =	sst s3;
	s4 =	sadd.s32 $0x16000, s1  }
0xb: {  	s24 =	sshrl.u32 s6, $0x3;
	s9 =	sshrl.u32 s0, $0x1;
	s26 =	sshrl.u32 s25, $0x2  }
0xc: {  	s25 =	simm.s32 $0x4F80;
	_ =	strace $0x8000004D;
	s6 =	sadd.s32 s6, s7  }
0xd: {  	s0 =	ssub.s32 s0, s9;
	s11 =	sadd.s32 s26, s2;
	s26 =	simm.s32 $0x4FA0  }
0xe: {  	s8 =	sadd.s32 s5, s1;
	s5 =	sadd.s32 s24, s1;
	s6 =	sshrl.u32 s6, $0x3  }
0xf: {  	s10 =	smax.u32 s0, $0x1;
	s11 =	sshrl.u32 s11, $0x3;
	s24 =	simm.s32 $0x27E0  }
0x10: {  	s1 =	sadd.s32 s6, s1;
	s5 =	sadd.s32 $0x3E000, s5;
	s6 =	sor.u32 $0x1C05, s31  }
0x11: {  	s7 =	sadd.s32 $0x2000, s8;
	s8 =	sadd.s32 $0xC000, s8;
	s9 =	sadd.s32 $0x66000, s1  }
.LBB2_1:
0x12: {  	[spmem:s11], [sflag:s6] =	dma.local [hbm:s5], $0x2800  }
0x13: {  	_ =	swait.ge [sflag:s12], $0x2800  }
0x14: {  	[sflag:s12] =	ssyncset.done $0x0  }
0x15: {  	[sflag:s12] =	ssyncadd.s32 $0xFFFFD800  }
0x16: {  	[tilespmem:s3], [sflag:$0x5] =	stream.linear.gather [hbm4b:s7+s3], $0x2800, $0x38;
	[tilespmem:$0x1D000] =	vst v63  }
0x17: {  	_ =	swait.ge [sflag:s12], $0x2800  }
0x18: {  	[sflag:s12] =	ssyncset.done $0x0  }
0x19: {  	s0 =	simm.s32 $0x2800;
	[sflag:s12] =	ssyncadd.s32 $0xFFFFD800  }
0x1a: {  	[tilespmem:s0], [sflag:$0x5] =	stream.linear.gather [hbm4b:s8+s3], $0x2800, $0x38;
	[tilespmem:$0x1D000] =	vst v63  }
0x1b: {  	_ =	swait.ge [sflag:s12], $0x2800  }
0x1c: {  	[sflag:s12] =	ssyncset.done $0x0  }
0x1d: {  	[sflag:s12] =	ssyncadd.s32 $0xFFFFD800  }
0x1e: {  	[bflag:$0x0] =	sbarrier.arrive $0xFFFF  }
0x1f: {  	[tilespmem:s15], [sflag:$0x1] =	stream.indirect.gather [hbm4b:s4+s14], $0x80, s3, s14, $0xb8;
	[tilespmem:$0x1D000] =	vst v63  }
0x20: {  	_ = 	snop  }
0x21: {  	[tilespmem:s16], [sflag:$0x2] =	stream.indirect.gather [hbm4b:s4+s14], $0x80, s14, s14, $0xb8;
	[tilespmem:$0x1D000] =	vst v63  }
0x22: {  	s1 =	simm.s32 $0x40  }
0x23: {  	[tilespmem:s18], [sflag:$0x3] =	stream.indirect.gather [hbm4b:s4+s14], $0x80, s1, s14, $0xb8;
	[tilespmem:$0x1D000] =	vst v63  }
0x24: {  	s13 =	simm.s32 $0x60  }
0x25: {  	[tilespmem:s19], [sflag:$0x4] =	stream.indirect.gather [hbm4b:s4+s14], $0x80, s13, s14, $0xb8;
	[tilespmem:$0x1D000] =	vst v63  }
0x26: {  	_ =	swait.ge [sflag:s20], $0x1000  }
0x27: {  	[sflag:s20] =	ssyncset.done $0x0  }
0x28: {  	s17 =	simm.s32 $0x2800;
	[sflag:s20] =	ssyncadd.s32 $0xFFFFF000  }
0x29: {  	[spmem:s2] =	stream.indirect.scatter.add.f32 [tilespmem:s15], [sflag:$0x5], $0x80, s17, s14, $0xb8;
	[tilespmem:$0x1D000] =	vst v63  }
0x2a: {  	_ =	swait.ge [sflag:s12], $0x1000  }
0x2b: {  	[sflag:s12] =	ssyncset.done $0x0  }
0x2c: {  	s1 =	simm.s32 $0x80;
	[sflag:s12] =	ssyncadd.s32 $0xFFFFF000  }
0x2d: {  	[tilespmem:s15], [sflag:$0x1] =	stream.indirect.gather [hbm4b:s4+s14], $0x80, s1, s14, $0xb8;
	[tilespmem:$0x1D000] =	vst v63  }
0x2e: {  	_ =	swait.ge [sflag:s21], $0x1000  }
0x2f: {  	[sflag:s21] =	ssyncset.done $0x0  }
0x30: {  	s13 =	simm.s32 $0x2820;
	[sflag:s21] =	ssyncadd.s32 $0xFFFFF000  }
0x31: {  	[spmem:s2] =	stream.indirect.scatter.add.f32 [tilespmem:s16], [sflag:$0x5], $0x80, s13, s14, $0xb8;
	[tilespmem:$0x1D000] =	vst v63  }
0x32: {  	_ =	swait.ge [sflag:s12], $0x1000  }
0x33: {  	[sflag:s12] =	ssyncset.done $0x0  }
0x34: {  	s17 =	simm.s32 $0xA0;
	[sflag:s12] =	ssyncadd.s32 $0xFFFFF000  }
0x35: {  	[tilespmem:s16], [sflag:$0x2] =	stream.indirect.gather [hbm4b:s4+s14], $0x80, s17, s14, $0xb8;
	[tilespmem:$0x1D000] =	vst v63  }
0x36: {  	_ =	swait.ge [sflag:s22], $0x1000  }
0x37: {  	[sflag:s22] =	ssyncset.done $0x0  }
0x38: {  	s1 =	simm.s32 $0x2840;
	[sflag:s22] =	ssyncadd.s32 $0xFFFFF000  }
0x39: {  	[spmem:s2] =	stream.indirect.scatter.add.f32 [tilespmem:s18], [sflag:$0x5], $0x80, s1, s14, $0xb8;
	[tilespmem:$0x1D000] =	vst v63  }
0x3a: {  	_ =	swait.ge [sflag:s12], $0x1000  }
0x3b: {  	[sflag:s12] =	ssyncset.done $0x0  }
0x3c: {  	s13 =	simm.s32 $0xC0;
	[sflag:s12] =	ssyncadd.s32 $0xFFFFF000  }
0x3d: {  	[tilespmem:s18], [sflag:$0x3] =	stream.indirect.gather [hbm4b:s4+s14], $0x80, s13, s14, $0xb8;
	[tilespmem:$0x1D000] =	vst v63  }
0x3e: {  	_ =	swait.ge [sflag:s23], $0x1000  }
0x3f: {  	[sflag:s23] =	ssyncset.done $0x0  }
0x40: {  	s17 =	simm.s32 $0x2860;
	[sflag:s23] =	ssyncadd.s32 $0xFFFFF000  }
0x41: {  	[spmem:s2] =	stream.indirect.scatter.add.f32 [tilespmem:s19], [sflag:$0x5], $0x80, s17, s14, $0xb8;
	[tilespmem:$0x1D000] =	vst v63  }
0x42: {  	_ =	swait.ge [sflag:s12], $0x1000  }
0x43: {  	s31 =	simm.s32 $0x80;
	s1 =	simm.s32 $0x400;
	[sflag:s12] =	ssyncset.done $0x0  }
.LBB2_2:
0x44: {  	s17 =	sadd.s32 $0x60, s31  }
0x45: {  	[sflag:s12] =	ssyncadd.s32 $0xFFFFF000;
	s0 =	smov.u32 s1;
	s13 =	sadd.s32 $0x200, s1  }
0x46: {  	[tilespmem:s19], [sflag:$0x4] =	stream.indirect.gather [hbm4b:s4+s14], $0x80, s17, s14, $0xb8;
	[tilespmem:$0x1D000] =	vst v63  }
0x47: {  	p0 =	sne.s32 s1, $0x9C00;
	_ =	swait.ge [sflag:s20], $0x1000  }
0x48: {  	[sflag:s20] =	ssyncset.done $0x0  }
0x49: {  	s1 =	sadd.s32 $0x2800, s31;
	[sflag:s20] =	ssyncadd.s32 $0xFFFFF000  }
0x4a: {  	[spmem:s2] =	stream.indirect.scatter.add.f32 [tilespmem:s15], [sflag:$0x5], $0x80, s1, s14, $0xb8;
	[tilespmem:$0x1D000] =	vst v63  }
0x4b: {  	_ =	swait.ge [sflag:s12], $0x1000  }
0x4c: {  	[sflag:s12] =	ssyncset.done $0x0  }
0x4d: {  	s1 =	sadd.s32 $0x80, s31;
	[sflag:s12] =	ssyncadd.s32 $0xFFFFF000  }
0x4e: {  	[tilespmem:s15], [sflag:$0x1] =	stream.indirect.gather [hbm4b:s4+s14], $0x80, s1, s14, $0xb8;
	[tilespmem:$0x1D000] =	vst v63  }
0x4f: {  	_ =	swait.ge [sflag:s21], $0x1000  }
0x50: {  	[sflag:s21] =	ssyncset.done $0x0  }
0x51: {  	s1 =	sadd.s32 $0x2820, s31;
	[sflag:s21] =	ssyncadd.s32 $0xFFFFF000  }
0x52: {  	[spmem:s2] =	stream.indirect.scatter.add.f32 [tilespmem:s16], [sflag:$0x5], $0x80, s1, s14, $0xb8;
	[tilespmem:$0x1D000] =	vst v63  }
0x53: {  	_ =	swait.ge [sflag:s12], $0x1000  }
0x54: {  	[sflag:s12] =	ssyncset.done $0x0  }
0x55: {  	s1 =	sadd.s32 $0xA0, s31;
	[sflag:s12] =	ssyncadd.s32 $0xFFFFF000  }
0x56: {  	[tilespmem:s16], [sflag:$0x2] =	stream.indirect.gather [hbm4b:s4+s14], $0x80, s1, s14, $0xb8;
	[tilespmem:$0x1D000] =	vst v63  }
0x57: {  	_ =	swait.ge [sflag:s22], $0x1000  }
0x58: {  	[sflag:s22] =	ssyncset.done $0x0  }
0x59: {  	s1 =	sadd.s32 $0x2840, s31;
	[sflag:s22] =	ssyncadd.s32 $0xFFFFF000  }
0x5a: {  	[spmem:s2] =	stream.indirect.scatter.add.f32 [tilespmem:s18], [sflag:$0x5], $0x80, s1, s14, $0xb8;
	[tilespmem:$0x1D000] =	vst v63  }
0x5b: {  	_ =	swait.ge [sflag:s12], $0x1000  }
0x5c: {  	[sflag:s12] =	ssyncset.done $0x0  }
0x5d: {  	s1 =	sadd.s32 $0xC0, s31;
	[sflag:s12] =	ssyncadd.s32 $0xFFFFF000  }
0x5e: {  	[tilespmem:s18], [sflag:$0x3] =	stream.indirect.gather [hbm4b:s4+s14], $0x80, s1, s14, $0xb8;
	[tilespmem:$0x1D000] =	vst v63  }
0x5f: {  	_ =	swait.ge [sflag:s23], $0x1000  }
.Ltmp0:
0x60: {  	[sflag:s23] =	ssyncset.done $0x0;
	(pc) =	sbr.rel @p0 .LBB2_2-.Ltmp0, $4  }
0x61: {  	s1 =	sadd.s32 $0x2860, s31;
	[sflag:s23] =	ssyncadd.s32 $0xFFFFF000  }
0x62: {  	[spmem:s2] =	stream.indirect.scatter.add.f32 [tilespmem:s19], [sflag:$0x5], $0x80, s1, s14, $0xb8;
	[tilespmem:$0x1D000] =	vst v63  }
0x63: {  	_ =	swait.ge [sflag:s12], $0x1000  }
0x64: {  	s31 =	sshra.s32 s0, $0x2;
	s1 =	smov.u32 s13;
	[sflag:s12] =	ssyncset.done $0x0  }
0x65: {  	s0 =	sadd.s32 $0x60, s31;
	[sflag:s12] =	ssyncadd.s32 $0xFFFFF000  }
0x66: {  	[tilespmem:s19], [sflag:$0x4] =	stream.indirect.gather [hbm4b:s4+s14], $0x80, s0, s14, $0xb8;
	[tilespmem:$0x1D000] =	vst v63  }
0x67: {  	_ =	swait.ge [sflag:s20], $0x1000  }
0x68: {  	[sflag:s20] =	ssyncset.done $0x0  }
0x69: {  	s1 =	sadd.s32 $0x2800, s31;
	[sflag:s20] =	ssyncadd.s32 $0xFFFFF000  }
0x6a: {  	[spmem:s2] =	stream.indirect.scatter.add.f32 [tilespmem:s15], [sflag:$0x5], $0x80, s1, s14, $0xb8;
	[tilespmem:$0x1D000] =	vst v63  }
0x6b: {  	_ =	swait.ge [sflag:s12], $0x1000  }
0x6c: {  	[sflag:s12] =	ssyncset.done $0x0  }
0x6d: {  	s13 =	sadd.s32 $0x80, s31;
	[sflag:s12] =	ssyncadd.s32 $0xFFFFF000  }
0x6e: {  	[tilespmem:s15], [sflag:$0x1] =	stream.indirect.gather [hbm4b:s4+s14], $0x80, s13, s14, $0xb8;
	[tilespmem:$0x1D000] =	vst v63  }
0x6f: {  	_ =	swait.ge [sflag:s21], $0x1000  }
0x70: {  	[sflag:s21] =	ssyncset.done $0x0  }
0x71: {  	s17 =	sadd.s32 $0x2820, s31;
	[sflag:s21] =	ssyncadd.s32 $0xFFFFF000  }
0x72: {  	[spmem:s2] =	stream.indirect.scatter.add.f32 [tilespmem:s16], [sflag:$0x5], $0x80, s17, s14, $0xb8;
	[tilespmem:$0x1D000] =	vst v63  }
0x73: {  	_ =	swait.ge [sflag:s12], $0x1000  }
0x74: {  	[sflag:s12] =	ssyncset.done $0x0  }
0x75: {  	s1 =	sadd.s32 $0xA0, s31;
	[sflag:s12] =	ssyncadd.s32 $0xFFFFF000  }
0x76: {  	[tilespmem:s16], [sflag:$0x2] =	stream.indirect.gather [hbm4b:s4+s14], $0x80, s1, s14, $0xb8;
	[tilespmem:$0x1D000] =	vst v63  }
0x77: {  	_ =	swait.ge [sflag:s22], $0x1000  }
0x78: {  	[sflag:s22] =	ssyncset.done $0x0  }
0x79: {  	s13 =	sadd.s32 $0x2840, s31;
	[sflag:s22] =	ssyncadd.s32 $0xFFFFF000  }
0x7a: {  	[spmem:s2] =	stream.indirect.scatter.add.f32 [tilespmem:s18], [sflag:$0x5], $0x80, s13, s14, $0xb8;
	[tilespmem:$0x1D000] =	vst v63  }
0x7b: {  	_ =	swait.ge [sflag:s12], $0x1000  }
0x7c: {  	[sflag:s12] =	ssyncset.done $0x0  }
0x7d: {  	s17 =	sadd.s32 $0xC0, s31;
	[sflag:s12] =	ssyncadd.s32 $0xFFFFF000  }
0x7e: {  	[tilespmem:s18], [sflag:$0x3] =	stream.indirect.gather [hbm4b:s4+s14], $0x80, s17, s14, $0xb8;
	[tilespmem:$0x1D000] =	vst v63  }
0x7f: {  	_ =	swait.ge [sflag:s23], $0x1000  }
0x80: {  	[sflag:s23] =	ssyncset.done $0x0  }
0x81: {  	s31 =	sadd.s32 $0x2860, s31;
	[sflag:s23] =	ssyncadd.s32 $0xFFFFF000  }
0x82: {  	[spmem:s2] =	stream.indirect.scatter.add.f32 [tilespmem:s19], [sflag:$0x5], $0x80, s31, s14, $0xb8;
	[tilespmem:$0x1D000] =	vst v63  }
0x83: {  	_ =	swait.ge [sflag:s12], $0x1000  }
0x84: {  	[sflag:s12] =	ssyncset.done $0x0  }
0x85: {  	[sflag:s12] =	ssyncadd.s32 $0xFFFFF000  }
0x86: {  	[tilespmem:s19], [sflag:$0x4] =	stream.indirect.gather [hbm4b:s4+s14], $0x80, s24, s14, $0xb8;
	[tilespmem:$0x1D000] =	vst v63  }
0x87: {  	_ =	swait.ge [sflag:s20], $0x1000  }
0x88: {  	[sflag:s20] =	ssyncset.done $0x0  }
0x89: {  	[sflag:s20] =	ssyncadd.s32 $0xFFFFF000  }
0x8a: {  	[spmem:s2] =	stream.indirect.scatter.add.f32 [tilespmem:s15], [sflag:$0x5], $0x80, s25, s14, $0xb8;
	[tilespmem:$0x1D000] =	vst v63  }
0x8b: {  	_ =	swait.ge [sflag:s12], $0x1000  }
0x8c: {  	[sflag:s12] =	ssyncset.done $0x0  }
0x8d: {  	[sflag:s12] =	ssyncadd.s32 $0xFFFFF000  }
0x8e: {  	_ =	swait.ge [sflag:s21], $0x1000  }
0x8f: {  	[sflag:s21] =	ssyncset.done $0x0  }
0x90: {  	[sflag:s21] =	ssyncadd.s32 $0xFFFFF000  }
0x91: {  	[spmem:s2] =	stream.indirect.scatter.add.f32 [tilespmem:s16], [sflag:$0x5], $0x80, s26, s14, $0xb8;
	[tilespmem:$0x1D000] =	vst v63  }
0x92: {  	_ =	swait.ge [sflag:s12], $0x1000  }
0x93: {  	[sflag:s12] =	ssyncset.done $0x0  }
0x94: {  	[sflag:s12] =	ssyncadd.s32 $0xFFFFF000  }
0x95: {  	_ =	swait.ge [sflag:s22], $0x1000  }
0x96: {  	[sflag:s22] =	ssyncset.done $0x0  }
0x97: {  	[sflag:s22] =	ssyncadd.s32 $0xFFFFF000  }
0x98: {  	[spmem:s2] =	stream.indirect.scatter.add.f32 [tilespmem:s18], [sflag:$0x5], $0x80, s28, s14, $0xb8;
	[tilespmem:$0x1D000] =	vst v63  }
0x99: {  	_ =	swait.ge [sflag:s12], $0x1000  }
0x9a: {  	[sflag:s12] =	ssyncset.done $0x0  }
0x9b: {  	[sflag:s12] =	ssyncadd.s32 $0xFFFFF000  }
0x9c: {  	_ =	swait.ge [sflag:s23], $0x1000  }
0x9d: {  	[sflag:s23] =	ssyncset.done $0x0  }
0x9e: {  	[sflag:s23] =	ssyncadd.s32 $0xFFFFF000  }
0x9f: {  	[spmem:s2] =	stream.indirect.scatter.add.f32 [tilespmem:s19], [sflag:$0x5], $0x80, s29, s14, $0xb8;
	[tilespmem:$0x1D000] =	vst v63  }
0xa0: {  	_ =	swait.ge [sflag:s12], $0x1000  }
0xa1: {  	s30 =	sadd.s32 $0x1, s30;
	[sflag:s12] =	ssyncset.done $0x0  }
0xa2: {  	p0 =	sne.s32 s30, s10;
	[sflag:s12] =	ssyncadd.s32 $0xFFFFF000  }
.Ltmp1:
0xa3: {  	[bflag:$0x0] =	sbarrier.arrive $0xFFFF;
	(pc) =	sbr.rel @p0 .LBB2_1-.Ltmp1, $4  }
0xa4: {  	[hbm:s9], [sflag:s6] =	dma.local [spmem:s11], $0x2800  }
0xa5: {  	_ =	swait.ge [sflag:s12], $0x2800  }
0xa6: {  	[sflag:s12] =	ssyncset.done $0x0  }
0xa7: {  	[sflag:s12] =	ssyncadd.s32 $0xFFFFD800  }
0xa8: {  	_ =	sfence.sel $0x180000  }
0xa9: {  	[bflag:$0x0] =	sbarrier.arrive $0xFFFF  }
0xaa: {  	_ =	strace $0x9000004D  }
0xab: {  	s0 =	stileid.u32;
	[bflag:$0x2] =	sbarrier.arrive $0xFFFF  }
0xac: {  	p0 =	sne.s32 s0, $0x0;
	s0 =	rddreg [dreg:$0x2]  }
0xad: {  	s0 =	sadd.s32 @!p0 $0x100000, s0  }
0xae: {  	[sflag:s0] =	ssyncadd.tile.s32 @!p0 $0x1;
	_ =	shalt  }
.Lfunc_end2:
_tile_overlayer_lowered:
.L_overlay_start_2:
0xaf: {  	(tag) =	ssettag $0x2  }
0xb0: {  	s0 =	rddreg [dreg:$0x0];
	s2 =	stileid.u32  }
0xb1: {  	s1 =	rddreg [dreg:$0x1];
	p0 =	sne.s32 s2, $0x0  }
0xb2: {  	s3 =	rddreg [dreg:$0x2];
	[bflag:$0x3] =	sbarrier.arrive $0xFFFF;
	s2 =	simm.s32 @!p0 $0x1C05  }
0xb3: {  	[timem:s3], [sflag:s2] =	dma.local @!p0 [hbm:s0], s1  }
0xb4: {  	s0 =	simm.s32 @!p0 $0x5  }
0xb5: {  	_ =	swait.ge @!p0 [sflag:s0], s1  }
0xb6: {  	s1 =	ssub.s32 @!p0 $0x0, s1;
	[sflag:s0] =	ssyncset.done @!p0 $0x0  }
0xb7: {  	[sflag:s0] =	ssyncadd.s32 @!p0 s1  }
0xb8: {  	[bflag:$0x3] =	sbarrier.arrive $0xFFFF  }
0xb9: {  	_ =	shalt  }

// kernel: kernel.8.cloned.1.call-start
scs
__scs_entry_jumppad:
0x0: {  	(pc) =	sbr.rel $0x88, $3  }
0x1: {  	(tag) =	ssettag $0x0;
	lr =	simm.s32 $0x1  }
0x2: {  	[smem:$0x3F9B] =	sst lr;
	_ =	strace $0xD0000000  }
0x3: {  	_ = 	snop  }
0x4: {  	_ = 	snop  }
0x5: {  	_ = 	snop  }
0x6: {  	_ = 	snop  }
0x7: {  	_ = 	snop  }
__scs_overlays_trampoline_lowered:
0x8: {  	[smem:$0x3FAA] =	sst s0  }
0x9: {  	[smem:$0x3FAB] =	sst s1  }
0xa: {  	[smem:$0x3FAC] =	sst s2  }
0xb: {  	[smem:$0x3FAD] =	sst s3  }
0xc: {  	[smem:$0x3FAE] =	sst s4  }
0xd: {  	[smem:$0x3FAF] =	sst s5  }
0xe: {  	[smem:$0x3FB0] =	sst s6  }
0xf: {  	[smem:$0x3FB1] =	sst s7  }
0x10: {  	[smem:$0x3FB2] =	sst s8  }
0x11: {  	[smem:$0x3FB3] =	sst s9;
	s0 =	simm.s32 @!p0 $0x0  }
0x12: {  	s1 =	sld [smem:$0x3F99];
	s0 =	simm.s32 @p0 $0x1  }
0x13: {  	[smem:$0x3FB4] =	sst s0;
	s0 =	simm.s32 @!p1 $0x0  }
0x14: {  	s2 =	sld [smem:$0x3F98];
	s0 =	simm.s32 @p1 $0x1  }
0x15: {  	[smem:$0x3FB5] =	sst s0;
	s0 =	simm.s32 @!p2 $0x0  }
0x16: {  	s3 =	sld [smem:$0x3FDB];
	s0 =	simm.s32 @p2 $0x1  }
0x17: {  	s4 =	simm.s32 $0x1BF5;
	[smem:$0x3FB7] =	sst s0  }
0x18: {  	s0 =	sld [smem:$0x3F9A];
	_ =	swait.ge [sflag:s4], $0x0  }
0x19: {  	s7 =	sld [smem:$0x3F9B]  }
0x1a: {  	s8 =	sadd.s32 $0xFFFFE003, lr  }
0x1b: {  	s9 =	sadd.s32 $0xFFFFFEF7, lr;
	s5 =	simm.s32 $0xFFFFFFFF;
	p2 =	slt.u32 s8, $0xFFFFF086  }
0x1c: {  	p1 =	slt.u32 s9, $0xF7A;
	s5 =	simm.s32 @!p2 $0x0  }
0x1d: {  	s5 =	simm.s32 @p1 $0x1;
	p0 =	seq.s32 s7, s2  }
0x1e: {  	s7 =	smul.u32 @!p0 $0xF7A, s2;
	p2 =	seq.s32 @!p0 s5, $0x0  }
0x1f: {  	s9 =	smul.u32 $0xF7A, s1;
	s8 =	simm.s32 @!p0 $0x1BF5;
	p2 =	por !p2, p0  }
0x20: {  	[sflag:s8] =	ssyncset.s32 @!p0 $0xFFFFF086;
	s6 =	sadd.s32 @!p0 s3, s7;
	s7 =	simm.s32 @!p0 $0x108  }
0x21: {  	s3 =	sadd.s32 s3, s9;
	s6 =	sadd.s32 @!p0 $0x88, s6;
	s7 =	simm.s32 @p2 $0x1082  }
0x22: {  	[simem:s7], [sflag:s8] =	dma.local @!p0 [hbm:s6], $0xF7A  }
0x23: {  	s9 =	sor.u32 $0xD0000000, s2;
	s6 =	simm.s32 $0x108;
	_ =	swait.ge @!p0 [sflag:s8], $0x0  }
0x24: {  	s3 =	sadd.s32 $0x88, s3;
	s6 =	simm.s32 @!p1 $0x1082;
	[sflag:s4] =	ssyncset.s32 $0xFFFFF086  }
0x25: {  	[simem:s6], [sflag:s4] =	dma.local [hbm:s3], $0xF7A  }
0x26: {  	[smem:$0x3F9B] =	sst s1;
	(tag) =	ssettag s2;
	_ =	strace s9  }
0x27: {  	s1 =	sld [smem:$0x3FAB]  }
0x28: {  	s2 =	sld [smem:$0x3FAC]  }
0x29: {  	s4 =	sld [smem:$0x3FAE]  }
0x2a: {  	p0 =	seq.s32 s5, $0x0;
	s5 =	sld [smem:$0x3FAF]  }
0x2b: {  	s6 =	sld [smem:$0x3FB0]  }
0x2c: {  	s7 =	sld [smem:$0x3FB1]  }
0x2d: {  	s3 =	simm.s32 $0x108;
	s8 =	sld [smem:$0x3FB2]  }
0x2e: {  	s3 =	simm.s32 @!p0 $0x1082;
	s9 =	sld [smem:$0x3FB3]  }
0x2f: {  	lr =	sadd.s32 s0, s3;
	s0 =	sld [smem:$0x3FAA]  }
0x30: {  	s3 =	sld [smem:$0x3FAD]  }
0x31: {  	[smem:$0x3FB6] =	sst s10  }
0x32: {  	s10 =	sld [smem:$0x3FB4];
	_ =	sdelay $0x3  }
0x33: {  	p0 =	seq.s32 s10, $0x1;
	s10 =	sld [smem:$0x3FB6];
	_ =	sdelay $0x3  }
0x34: {  	[smem:$0x3FB6] =	sst s10  }
0x35: {  	s10 =	sld [smem:$0x3FB5];
	_ =	sdelay $0x3  }
0x36: {  	p1 =	seq.s32 s10, $0x1;
	s10 =	sld [smem:$0x3FB6];
	_ =	sdelay $0x3  }
0x37: {  	[smem:$0x3FB6] =	sst s10  }
0x38: {  	s10 =	sld [smem:$0x3FB7]  }
0x39: {  	_ = 	snop;
	(pc) =	sbr.ind lr, $3  }
0x3a: {  	_ = 	snop  }
0x3b: {  	_ = 	snop  }
0x3c: {  	p2 =	seq.s32 s10, $0x1;
	s10 =	sld [smem:$0x3FB6]  }
0x3d: {  	_ =	shalt  }
0x3e: {  	_ =	shalt  }
0x3f: {  	_ =	shalt  }
0x40: {  	_ =	shalt  }
0x41: {  	_ =	shalt  }
0x42: {  	_ =	shalt  }
0x43: {  	_ =	shalt  }
0x44: {  	_ =	shalt  }
0x45: {  	_ =	shalt  }
0x46: {  	_ =	shalt  }
0x47: {  	_ =	shalt  }
0x48: {  	_ =	shalt  }
0x49: {  	_ =	shalt  }
0x4a: {  	_ =	shalt  }
0x4b: {  	_ =	shalt  }
0x4c: {  	_ =	shalt  }
0x4d: {  	_ =	shalt  }
0x4e: {  	_ =	shalt  }
0x4f: {  	_ =	shalt  }
0x50: {  	_ =	shalt  }
0x51: {  	_ =	shalt  }
0x52: {  	_ =	shalt  }
0x53: {  	_ =	shalt  }
0x54: {  	_ =	shalt  }
0x55: {  	_ =	shalt  }
0x56: {  	_ =	shalt  }
0x57: {  	_ =	shalt  }
0x58: {  	_ =	shalt  }
0x59: {  	_ =	shalt  }
0x5a: {  	_ =	shalt  }
0x5b: {  	_ =	shalt  }
0x5c: {  	_ =	shalt  }
0x5d: {  	_ =	shalt  }
0x5e: {  	_ =	shalt  }
0x5f: {  	_ =	shalt  }
0x60: {  	_ =	shalt  }
0x61: {  	_ =	shalt  }
0x62: {  	_ =	shalt  }
0x63: {  	_ =	shalt  }
0x64: {  	_ =	shalt  }
0x65: {  	_ =	shalt  }
0x66: {  	_ =	shalt  }
0x67: {  	_ =	shalt  }
0x68: {  	_ =	shalt  }
0x69: {  	_ =	shalt  }
0x6a: {  	_ =	shalt  }
0x6b: {  	_ =	shalt  }
0x6c: {  	_ =	shalt  }
0x6d: {  	_ =	shalt  }
0x6e: {  	_ =	shalt  }
0x6f: {  	_ =	shalt  }
0x70: {  	_ =	shalt  }
0x71: {  	_ =	shalt  }
0x72: {  	_ =	shalt  }
0x73: {  	_ =	shalt  }
0x74: {  	_ =	shalt  }
0x75: {  	_ =	shalt  }
0x76: {  	_ =	shalt  }
0x77: {  	_ =	shalt  }
0x78: {  	_ =	shalt  }
0x79: {  	_ =	shalt  }
0x7a: {  	_ =	shalt  }
0x7b: {  	_ =	shalt  }
0x7c: {  	_ =	shalt  }
0x7d: {  	_ =	shalt  }
0x7e: {  	_ =	shalt  }
0x7f: {  	_ =	shalt  }
0x80: {  	_ =	shalt  }
0x81: {  	_ =	shalt  }
0x82: {  	_ =	shalt  }
0x83: {  	_ =	shalt  }
0x84: {  	_ =	shalt  }
0x85: {  	_ =	shalt  }
0x86: {  	_ =	shalt  }
0x87: {  	_ =	shalt  }
.Lfunc_end0:
.L_simem_size_0:
called_computation_lowered:
.L_overlay_start_0:
0x88: {  	s2 =	sld [smem:$0x3FD9]  }
0x89: {  	s3 =	sld [smem:$0x3FFE];
	_ =	sdelay $0x1  }
0x8a: {  	s1 =	srdreg.scid  }
0x8b: {  	s0 =	sand.u32 $0x1, s1  }
0x8c: {  	s16 =	sshll.u32 s0, $0xA;
	s2 =	sadd.s32 s3, s2  }
0x8d: {  	s2 =	sadd.s32 s2, s16  }
0x8e: {  	[smem:$0x3FC2] =	sst s2  }
0x8f: {  	_ = 	snop  }
0x90: {  	(tm) =	ssettm $0x1  }
0x91: {  	s17 =	sld [smem:$0x3FFB];
	_ =	sdelay $0x3  }
0x92: {  	_ =	strace s17  }
0x93: {  	s2 =	sld [smem:$0x3FFC];
	_ =	sdelay $0x3  }
0x94: {  	_ =	strace s2  }
0x95: {  	s2 =	sld [smem:$0x3FFD];
	_ =	sdelay $0x3  }
0x96: {  	_ =	strace s2  }
0x97: {  	_ =	strace $0x8FFFFFFF  }
0x98: {  	s18 =	sld [smem:$0x3FDB];
	_ =	sdelay $0x1  }
0x99: {  	s19 =	simm.s32 $_scs_section_size  }
0x9a: {  	s4 =	simm.s32 $_size__tile_overlayer_lowered;
	s5 =	simm.s32 $_tile_overlayer_lowered  }
0x9b: {  	s22 =	simm.s32 $0x1BFF;
	s21 =	sshll.u32 s5, $0x1;
	s2 =	sadd.s32 s19, s18  }
0x9c: {  	s6 =	simm.s32 $0x0;
	s20 =	sshll.u32 s4, $0x1;
	s4 =	sadd.s32 s21, s2  }
0x9d: {  	[timem:s6], [sflag:s22] =	dma.local [hbm:s4], s20  }
0x9e: {  	_ =	swait.ge [sflag:s22], s20  }
0x9f: {  	s3 =	ssub.s32 $0x0, s20;
	[sflag:s22] =	ssyncset.done $0x0  }
0xa0: {  	[sflag:s22] =	ssyncadd.s32 s3;
	_ =	sdelay $0x1  }
0xa1: {  	s23 =	simm.s32 $0x1B8B  }
0xa2: {  	_ =	swait.ge [sflag:s23], $0x1  }
0xa3: {  	[sflag:s23] =	ssyncset.done $0x0  }
0xa4: {  	s25 =	simm.s32 $0x1B8E;
	s24 =	sld [smem:$0x3FFE];
	[sflag:s23] =	ssyncadd.s32 $0xFFFFFFFF  }
0xa5: {  	s26 =	simm.s32 $execute0_lowered;
	[smem:$0x3FD2] =	sst s25  }
0xa6: {  	s4 =	sshll.u32 s26, $0x1;
	_ =	strace $0x80000046;
	[dreg:$0x1] =	wrdreg $0xFFFFFFFF  }
0xa7: {  	s28 =	simm.s32 $_size_execute0_lowered;
	s2 =	sadd.s32 s2, s4;
	[dreg:$0x0] =	wrdreg $0x0  }
0xa8: {  	s4 =	sshll.u32 s28, $0x1;
	[dreg:$0x2] =	wrdreg s2  }
0xa9: {  	[dreg:$0x3] =	wrdreg s4  }
0xaa: {  	[dreg:$0x4] =	wrdreg $0xC0  }
0xab: {  	_ =	task [dreg:s6], $0x5FFFF  }
0xac: {  	[dreg:$0x1] =	wrdreg $0xFFFFFFFF  }
0xad: {  	[dreg:$0x0] =	wrdreg $0x60  }
0xae: {  	[dreg:$0x2] =	wrdreg s24  }
0xaf: {  	[dreg:$0x3] =	wrdreg $0x9  }
0xb0: {  	_ =	task.clear_ibuf [dreg:s6], $0x4FFFF;
	_ =	strace $0x90000046  }
0xb1: {  	s29 =	simm.s32 $0x9;
	_ =	strace $0x80000048  }
0xb2: {  	_ =	swait.ge [sflag:s29], $0x1  }
0xb3: {  	[sflag:s29] =	ssyncadd.s32 $0xFFFFFFFF  }
0xb4: {  	_ =	strace $0x90000048  }
0xb5: {  	_ =	sfence  }
0xb6: {  	s30 =	sld [smem:$0x0];
	_ =	sdelay $0x2  }
0xb7: {  	s31 =	sshll.u32 s1, $0xD;
	s1 =	sshrl.u32 s1, $0x2  }
0xb8: {  	s3 =	sand.u32 $0x4000, s31;
	s1 =	sadd.s32 s1, s30  }
0xb9: {  	s0 =	sor.u32 s3, s0;
	s1 =	sshll.u32 s1, $0x11  }
0xba: {  	s0 =	sor.u32 s1, s0  }
0xbb: {  	s0 =	sadd.s32 $0x8F2B, s0  }
0xbc: {  	[sflag:s0] =	ssyncadd.remote.s32 $0x1  }
0xbd: {  	_ =	sfence.sel $0xFFFF  }
0xbe: {  	[dreg:$0x0] =	wrdreg $0xFFFFFFFF;
	(pc) =	sbr.abs _section_cstart, $3  }
0xbf: {  	[dreg:$0x1] =	wrdreg $0xFFFFFFFF  }
0xc0: {  	_ =	task.clear_ibuf [dreg:s6], $0x2FFFF;
	_ =	strace $0x9FFFFFFF  }
0xc1: {  	(tm) =	ssettm $0x7FFFFFFF  }
tec
execute0_lowered:
.L_overlay_start_1:
0x0: {  	(tag) =	ssettag $0x1  }
0x1: {  	s1 =	srdreg.scid  }
0x2: {  	s0 =	stileid.u32;
	s5 =	rddreg [dreg:$0x0]  }
0x3: {  	s2 =	simm.s32 $0x0;
	s8 =	simm.s32 $0x80;
	s9 =	simm.s32 $0x400  }
0x4: {  	s10 =	simm.s32 $0x0;
	s3 =	sand.u32 $0x1, s1;
	s29 =	sshll.u32 s0, $0x1  }
0x5: {  	s30 =	sshrl.u32 s0, $0x2;
	s1 =	rddreg [dreg:$0x1];
	s4 =	sor.u32 s3, s29  }
0x6: {  	[smem:$0x7FF] =	sst s2;
	s6 =	smul.u32 $0x14000, s30;
	s7 =	sshll.u32 s4, $0x7  }
0x7: {  	s3 =	ssub.s32 $0x2, s3;
	s4 =	smul.u32 $0x500, s4;
	s7 =	sand.u32 $0x380, s7  }
0x8: {  	_ =	strace $0x80000047;
	s31 =	sshrl.u32 s3, $0x1;
	s6 =	sor.u32 s6, s7  }
0x9: {  	s4 =	sadd.s32 s4, s5;
	s7 =	simm.s32 $0x2800;
	s6 =	sshrl.u32 s6, $0x3  }
0xa: {  	s5 =	sadd.s32 s6, s5;
	s6 =	ssub.s32 s3, s31;
	s3 =	sadd.s32 $0xC000, s4  }
0xb: {  	v0 =	vimm.f32 $0.0e+00;
	v1 =	vimm.f32 $1.000000000e+00;
	s4 =	sadd.s32 $0x16000, s5;
	s5 =	smax.u32 s6, $0x1;
	s6 =	simm.s32 $0x1  }
.LBB2_1:
0xc: {  	[tilespmem:s2], [sflag:$0x1] =	stream.linear.gather [hbm4b:s3+s2], $0x2800, $0x38;
	[tilespmem:$0x5000] =	vst v63  }
0xd: {  	_ =	swait.ge [sflag:s6], $0x2800  }
0xe: {  	[sflag:s6] =	ssyncset.done $0x0  }
0xf: {  	s11 =	simm.s32 $0x0;
	s12 =	simm.s32 $0x200;
	[sflag:s6] =	ssyncadd.s32 $0xFFFFD800  }
.LBB2_2:
0x10: {  	p0 =	sne.s32 s12, $0x9E00;
	[tilespmem:s11+$0x2870] =	vst v0  }
0x11: {  	[tilespmem:s11+$0x2800] =	vst v0  }
0x12: {  	[tilespmem:s11+$0x2810] =	vst v0  }
.Ltmp0:
0x13: {  	[tilespmem:s11+$0x2820] =	vst v0;
	(pc) =	sbr.rel @p0 .LBB2_2-.Ltmp0, $4  }
0x14: {  	[tilespmem:s11+$0x2830] =	vst v0  }
0x15: {  	[tilespmem:s11+$0x2840] =	vst v0  }
0x16: {  	[tilespmem:s11+$0x2850] =	vst v0  }
0x17: {  	[tilespmem:s11+$0x2860] =	vst v0;
	s11 =	sshra.s32 s12, $0x2;
	s12 =	sadd.s32 $0x200, s12  }
0x18: {  	[tilespmem:s11+$0x2870] =	vst v0  }
0x19: {  	[tilespmem:s11+$0x2800] =	vst v0  }
0x1a: {  	[tilespmem:s11+$0x2810] =	vst v0  }
0x1b: {  	[tilespmem:s11+$0x2820] =	vst v0  }
0x1c: {  	[tilespmem:s11+$0x2830] =	vst v0  }
0x1d: {  	[tilespmem:s11+$0x2840] =	vst v0  }
0x1e: {  	[tilespmem:s11+$0x2850] =	vst v0  }
0x1f: {  	[tilespmem:s11+$0x2860] =	vst v0;
	s11 =	simm.s32 $0x0  }
.LBB2_4:
0x20: {  	s12 =	sshra.s32 s11, $0x2  }
0x21: {  	v2 =	vld [tilespmem:s12+$0x0];
	_ =	sdelay $0x7  }
0x22: {  	[tilespmem:v2+s7+$0x0] =	vst.idx.add.f32.msk $0xffff, v1  }
0x23: {  	v2 =	vld [tilespmem:s12+$0x10];
	_ =	sdelay $0x7  }
0x24: {  	[tilespmem:v2+s7+$0x0] =	vst.idx.add.f32.msk $0xffff, v1  }
0x25: {  	v2 =	vld [tilespmem:s12+$0x20];
	_ =	sdelay $0x7  }
0x26: {  	[tilespmem:v2+s7+$0x0] =	vst.idx.add.f32.msk $0xffff, v1  }
0x27: {  	v2 =	vld [tilespmem:s12+$0x30];
	_ =	sdelay $0x7  }
0x28: {  	[tilespmem:v2+s7+$0x0] =	vst.idx.add.f32.msk $0xffff, v1  }
0x29: {  	v2 =	vld [tilespmem:s12+$0x40];
	_ =	sdelay $0x7  }
0x2a: {  	[tilespmem:v2+s7+$0x0] =	vst.idx.add.f32.msk $0xffff, v1  }
0x2b: {  	v2 =	vld [tilespmem:s12+$0x50];
	_ =	sdelay $0x7  }
0x2c: {  	[tilespmem:v2+s7+$0x0] =	vst.idx.add.f32.msk $0xffff, v1  }
0x2d: {  	v2 =	vld [tilespmem:s12+$0x60];
	_ =	sdelay $0x7  }
0x2e: {  	[tilespmem:v2+s7+$0x0] =	vst.idx.add.f32.msk $0xffff, v1  }
0x2f: {  	v2 =	vld [tilespmem:s12+$0x70];
	_ =	sdelay $0x2  }
0x30: {  	p0 =	sne.s32 s11, $0x9E00  }
.Ltmp1:
0x31: {  	_ = 	snop;
	(pc) =	sbr.rel @p0 .LBB2_4-.Ltmp1, $2  }
0x32: {  	_ =	sdelay $0x2  }
0x33: {  	s11 =	sadd.s32 $0x200, s11;
	[tilespmem:v2+s7+$0x0] =	vst.idx.add.f32.msk $0xffff, v1  }
0x34: {  	s10 =	sadd.s32 $0x1, s10  }
0x35: {  	p0 =	sne.s32 s10, s5  }
.Ltmp2:
0x36: {  	_ = 	snop;
	(pc) =	sbr.rel @p0 .LBB2_1-.Ltmp2, $4  }
0x37: {  	[hbm4b:s4+s8] =	stream.strided.scatter [tilespmem:s7], [sflag:$0x1], $0x2800, s9, s8, $0x38;
	[tilespmem:$0x5000] =	vst v63  }
0x38: {  	_ =	swait.ge [sflag:s6], $0x2800  }
0x39: {  	[sflag:s6] =	ssyncset.done $0x0  }
0x3a: {  	[sflag:s6] =	ssyncadd.s32 $0xFFFFD800  }
0x3b: {  	_ =	sfence.sel $0x180000  }
0x3c: {  	[bflag:$0x0] =	sbarrier.arrive $0xFFFF  }
0x3d: {  	p0 =	sne.s32 s0, $0x0;
	_ =	strace $0x90000047  }
0x3e: {  	s0 =	sadd.s32 @!p0 $0x100000, s1;
	[bflag:$0x2] =	sbarrier.arrive $0xFFFF  }
0x3f: {  	[sflag:s0] =	ssyncadd.tile.s32 @!p0 $0x1;
	_ =	shalt  }
.Lfunc_end2:
_tile_overlayer_lowered:
.L_overlay_start_2:
0x40: {  	(tag) =	ssettag $0x2  }
0x41: {  	s0 =	rddreg [dreg:$0x0];
	s2 =	stileid.u32  }
0x42: {  	s1 =	rddreg [dreg:$0x1];
	p0 =	sne.s32 s2, $0x0  }
0x43: {  	s3 =	rddreg [dreg:$0x2];
	[bflag:$0x3] =	sbarrier.arrive $0xFFFF;
	s2 =	simm.s32 @!p0 $0x1C01  }
0x44: {  	[timem:s3], [sflag:s2] =	dma.local @!p0 [hbm:s0], s1  }
0x45: {  	s0 =	simm.s32 @!p0 $0x1  }
0x46: {  	_ =	swait.ge @!p0 [sflag:s0], s1  }
0x47: {  	s1 =	ssub.s32 @!p0 $0x0, s1;
	[sflag:s0] =	ssyncset.done @!p0 $0x0  }
0x48: {  	[sflag:s0] =	ssyncadd.s32 @!p0 s1  }
0x49: {  	[bflag:$0x3] =	sbarrier.arrive $0xFFFF  }
0x4a: {  	_ =	shalt  }

</sc_bundles>
